<compile_context>
chip_gen: v7x
topology: tpu7x:2x2x1
jax: 0.10.2.dev20260603
libtpu: 0.0.44.dev20260713+nightly
codegen_flags: <defaults>
</compile_context>

<pallas_src>
import functools

import jax
import jax.numpy as jnp
from jax import lax
from jax.experimental import pallas as pl
from jax.experimental.pallas import tpu as pltpu
from jax.experimental.pallas import tpu_sc as plsc

N_FIELDS = 8
VOCAB_SZ = 1000000
BATCH_SZ = 16384
N_NLP = 5
LAMBDA_LLM = 0.1

NC = 2
NS = 16
LANES = 16
NW = NC * NS

ROWS_W = BATCH_SZ // NW
GATHERS_W = ROWS_W * N_FIELDS
BBLK = 128
NBLK_W = ROWS_W // BBLK
LLM_W = ROWS_W * N_NLP

_mesh = plsc.VectorSubcoreMesh(core_axis_name="c", subcore_axis_name="s")


@functools.partial(
    pl.kernel,
    mesh=_mesh,
    compiler_params=pltpu.CompilerParams(needs_layout_passes=False),
    out_type=jax.ShapeDtypeStruct((BATCH_SZ,), jnp.float32),
    scratch_types=[
        pltpu.VMEM((GATHERS_W,), jnp.int32),
        pltpu.VMEM((GATHERS_W,), jnp.float32),
        pltpu.VMEM((LLM_W,), jnp.float32),
        pltpu.VMEM((LANES,), jnp.float32),
        pltpu.VMEM((ROWS_W,), jnp.float32),
        pltpu.SemaphoreType.DMA,
        pltpu.SemaphoreType.DMA,
        pltpu.SemaphoreType.DMA,
        pltpu.SemaphoreType.DMA,
        pltpu.SemaphoreType.DMA,
    ],
)
def _lr_lookup(x_hbm, llm_hbm, tab_hbm, bias_hbm,
               out_hbm, x_v, vals_v, llm_v, bias_v, out_v,
               sem, sx0, sx1, sx2, sx3):
    sem_x = (sx0, sx1, sx2, sx3)
    tabs = [tab_hbm.at[f, 0] for f in range(N_FIELDS)]
    wid = lax.axis_index("s") * NC + lax.axis_index("c")
    base = wid * ROWS_W

    XBLK = BBLK * N_FIELDS
    for jb in range(NBLK_W):
        pltpu.async_copy(
            x_hbm.at[pl.ds(wid * GATHERS_W + jb * XBLK, XBLK)],
            x_v.at[pl.ds(jb * XBLK, XBLK)],
            sem_x[jb],
        )
    for jb in range(NBLK_W):
        pltpu.make_async_copy(
            x_hbm.at[pl.ds(0, XBLK)], x_v.at[pl.ds(0, XBLK)], sem_x[jb],
        ).wait()
        for f in range(N_FIELDS):
            pltpu.async_copy(
                tabs[f].at[x_v.at[pl.ds(jb * BBLK * N_FIELDS + f * BBLK, BBLK)]],
                vals_v.at[pl.ds(f * ROWS_W + jb * BBLK, BBLK)],
                sem,
            )

    for j in range(N_NLP):
        pltpu.sync_copy(
            llm_hbm.at[pl.ds(j * BATCH_SZ + base, ROWS_W)],
            llm_v.at[pl.ds(j * ROWS_W, ROWS_W)],
        )
    pltpu.sync_copy(bias_hbm, bias_v)

    bias_vec = bias_v[...]

    pltpu.make_async_copy(tab_hbm.at[0, 0, pl.ds(0, GATHERS_W)], vals_v, sem).wait()

    @plsc.parallel_loop(0, ROWS_W, step=LANES, unroll=4)
    def accum(r):
        acc = bias_vec
        for f in range(N_FIELDS):
            acc = acc + vals_v[pl.ds(f * ROWS_W + r, LANES)]
        ls = llm_v[pl.ds(r, LANES)]
        for j in range(1, N_NLP):
            ls = ls + llm_v[pl.ds(j * ROWS_W + r, LANES)]
        out_v[pl.ds(r, LANES)] = acc + ls * LAMBDA_LLM

    pltpu.sync_copy(out_v, out_hbm.at[pl.ds(base, ROWS_W)])


def kernel(X, llm_emb_1, tables, bias):
    x_lin = X.reshape(BATCH_SZ // BBLK, BBLK, N_FIELDS).transpose(0, 2, 1).reshape(-1)
    llm_lin = llm_emb_1.transpose(1, 2, 0).reshape(-1)
    t3 = tables.transpose(0, 2, 1)
    bias16 = jnp.broadcast_to(bias, (LANES,))
    out = _lr_lookup(x_lin, llm_lin, t3, bias16)
    return out.reshape(BATCH_SZ, 1)

# --- scband reference (transcript-rebuilt; emitter-appended) ---
"""Pipeline reference for scband-lr-layer2-36919538877237 (READ-ONLY COPY).

The authoritative reference and input builder live on the scoring server;
editing this copy changes nothing except your own understanding.
"""

import jax, jax.numpy as jnp
import numpy as np

NUM_FIELDS = 8
VOCAB = 1000000
BATCH = 16384
NLP_FIELD_BOOL = [0, 1, 1, 1, 0, 1, 1, 0]
NLP_IDX = [i for i, b in enumerate(NLP_FIELD_BOOL) if b]  # [1, 2, 3, 5, 6]


def setup_inputs(seed: int = 0) -> dict:
    key = jax.random.key(seed)
    k1, k2, k3 = jax.random.split(key, 3)
    X = jax.random.randint(k1, (BATCH, NUM_FIELDS), 0, VOCAB, dtype=jnp.int32)
    llm_emb_1 = jax.random.normal(k2, (BATCH, len(NLP_IDX), 1), dtype=jnp.float32)
    # Learned params: one embedding table of dim 1 per field (LR weights), plus scalar bias
    tables = jax.random.normal(k3, (NUM_FIELDS, VOCAB, 1), dtype=jnp.float32) * 0.01
    bias = jnp.zeros((1,), dtype=jnp.float32)
    return {"X": X, "llm_emb_1": llm_emb_1, "tables": tables, "bias": bias}


def reference(X, llm_emb_1, tables, bias):
    lambda_llm = 0.1  # hard-coded in original forward
    # EmbeddingLayer(feature_map, 1): per-field gather of dim-1 weights -> list of [B, 1]
    embed_weights = [jnp.take(tables[f], X[:, f], axis=0) for f in range(NUM_FIELDS)]
    ew = jnp.stack(embed_weights, axis=0)  # [NUM_FIELDS, B, 1]
    for j, idx in enumerate(NLP_IDX):
        ew = ew.at[idx].add(lambda_llm * llm_emb_1[:, j, :])
    output = ew.sum(axis=0)  # [B, 1]
    output = output + bias
    return output

if __name__ == "__main__":
    import jax
    _d = setup_inputs()
    print(jax.jit(kernel)(*tuple(_d.values())))

</pallas_src>

<mosaic_0001>
#map = affine_map<(d0, d1) -> (0)>
#map1 = affine_map<(d0, d1) -> (0, 0, 0)>
module attributes {stable_mosaic.version = 14 : i64} {
  func.func @_lr_lookup(%arg0: i32, %arg1: i32, %arg2: memref<131072xi32, #tpu.memory_space<hbm>>, %arg3: memref<81920xf32, #tpu.memory_space<hbm>>, %arg4: memref<8x1x1000000xf32, #tpu.memory_space<hbm>>, %arg5: memref<16xf32, #tpu.memory_space<hbm>>, %arg6: memref<16384xf32, #tpu.memory_space<hbm>>, %arg7: memref<4096xi32, #tpu.memory_space<vmem>>, %arg8: memref<4096xf32, #tpu.memory_space<vmem>>, %arg9: memref<2560xf32, #tpu.memory_space<vmem>>, %arg10: memref<16xf32, #tpu.memory_space<vmem>>, %arg11: memref<512xf32, #tpu.memory_space<vmem>>, %arg12: memref<!tpu.dma_semaphore, #tpu.memory_space<semaphore_mem>>, %arg13: memref<!tpu.dma_semaphore, #tpu.memory_space<semaphore_mem>>, %arg14: memref<!tpu.dma_semaphore, #tpu.memory_space<semaphore_mem>>, %arg15: memref<!tpu.dma_semaphore, #tpu.memory_space<semaphore_mem>>, %arg16: memref<!tpu.dma_semaphore, #tpu.memory_space<semaphore_mem>>) attributes {dimension_semantics = [#tpu.dimension_semantics<core_parallel>, #tpu.dimension_semantics<subcore_parallel>], iteration_bounds = array<i64: 2, 16>, scalar_prefetch = 0 : i64, scratch_operands = 10 : i64, tpu.core_type = #tpu.core_type<sc_vector_subcore>, window_params = [{transform_indices = #map}, {transform_indices = #map}, {transform_indices = #map1}, {transform_indices = #map}, {transform_indices = #map}]} {
    %mul3A = arith.constant 2 : i32
    %mul3A_0 = arith.muli %arg1, %mul3A : i32
    %add3A = arith.addi %mul3A_0, %arg0 : i32
    %mul3A_1 = arith.constant 512 : i32
    %mul3A_2 = arith.muli %add3A, %mul3A_1 : i32
    %mul3A_3 = arith.constant 4096 : i32
    %mul3A_4 = arith.muli %add3A, %mul3A_3 : i32
    %add3A_5 = arith.constant 0 : i32
    %add3A_6 = arith.addi %mul3A_4, %add3A_5 : i32
    %dma_start3A = arith.constant 0 : i32
    %dma_start3A_7 = tpu.memref_slice %arg7[%dma_start3A] : memref<4096xi32, #tpu.memory_space<vmem>> -> memref<1024xi32, #tpu.memory_space<vmem>>
    %dma_start3A_8 = tpu.memref_slice %arg2[%add3A_6] : memref<131072xi32, #tpu.memory_space<hbm>> -> memref<1024xi32, #tpu.memory_space<hbm>>
    %dma_start3A_9 = arith.constant 0 : i32
    %dma_start3A_10 = tpu.memref_slice %arg7[%dma_start3A_9] : memref<4096xi32, #tpu.memory_space<vmem>> -> memref<1024xi32, #tpu.memory_space<vmem>>
    %dma_start3A_11 = tpu.memref_slice %arg2[%add3A_6] : memref<131072xi32, #tpu.memory_space<hbm>> -> memref<1024xi32, #tpu.memory_space<hbm>>
    tpu.enqueue_dma source(%dma_start3A_11 : memref<1024xi32, #tpu.memory_space<hbm>>) target(%dma_start3A_10 : memref<1024xi32, #tpu.memory_space<vmem>>) target_semaphore(%arg13 : memref<!tpu.dma_semaphore, #tpu.memory_space<semaphore_mem>>)
    %mul3A_12 = arith.constant 4096 : i32
    %mul3A_13 = arith.muli %add3A, %mul3A_12 : i32
    %add3A_14 = arith.constant 1024 : i32
    %add3A_15 = arith.addi %mul3A_13, %add3A_14 : i32
    %dma_start3A_16 = arith.constant 1024 : i32
    %dma_start3A_17 = tpu.memref_slice %arg7[%dma_start3A_16] : memref<4096xi32, #tpu.memory_space<vmem>> -> memref<1024xi32, #tpu.memory_space<vmem>>
    %dma_start3A_18 = tpu.memref_slice %arg2[%add3A_15] : memref<131072xi32, #tpu.memory_space<hbm>> -> memref<1024xi32, #tpu.memory_space<hbm>>
    %dma_start3A_19 = arith.constant 1024 : i32
    %dma_start3A_20 = tpu.memref_slice %arg7[%dma_start3A_19] : memref<4096xi32, #tpu.memory_space<vmem>> -> memref<1024xi32, #tpu.memory_space<vmem>>
    %dma_start3A_21 = tpu.memref_slice %arg2[%add3A_15] : memref<131072xi32, #tpu.memory_space<hbm>> -> memref<1024xi32, #tpu.memory_space<hbm>>
    tpu.enqueue_dma source(%dma_start3A_21 : memref<1024xi32, #tpu.memory_space<hbm>>) target(%dma_start3A_20 : memref<1024xi32, #tpu.memory_space<vmem>>) target_semaphore(%arg14 : memref<!tpu.dma_semaphore, #tpu.memory_space<semaphore_mem>>)
    %mul3A_22 = arith.constant 4096 : i32
    %mul3A_23 = arith.muli %add3A, %mul3A_22 : i32
    %add3A_24 = arith.constant 2048 : i32
    %add3A_25 = arith.addi %mul3A_23, %add3A_24 : i32
    %dma_start3A_26 = arith.constant 2048 : i32
    %dma_start3A_27 = tpu.memref_slice %arg7[%dma_start3A_26] : memref<4096xi32, #tpu.memory_space<vmem>> -> memref<1024xi32, #tpu.memory_space<vmem>>
    %dma_start3A_28 = tpu.memref_slice %arg2[%add3A_25] : memref<131072xi32, #tpu.memory_space<hbm>> -> memref<1024xi32, #tpu.memory_space<hbm>>
    %dma_start3A_29 = arith.constant 2048 : i32
    %dma_start3A_30 = tpu.memref_slice %arg7[%dma_start3A_29] : memref<4096xi32, #tpu.memory_space<vmem>> -> memref<1024xi32, #tpu.memory_space<vmem>>
    %dma_start3A_31 = tpu.memref_slice %arg2[%add3A_25] : memref<131072xi32, #tpu.memory_space<hbm>> -> memref<1024xi32, #tpu.memory_space<hbm>>
    tpu.enqueue_dma source(%dma_start3A_31 : memref<1024xi32, #tpu.memory_space<hbm>>) target(%dma_start3A_30 : memref<1024xi32, #tpu.memory_space<vmem>>) target_semaphore(%arg15 : memref<!tpu.dma_semaphore, #tpu.memory_space<semaphore_mem>>)
    %mul3A_32 = arith.constant 4096 : i32
    %mul3A_33 = arith.muli %add3A, %mul3A_32 : i32
    %add3A_34 = arith.constant 3072 : i32
    %add3A_35 = arith.addi %mul3A_33, %add3A_34 : i32
    %dma_start3A_36 = arith.constant 3072 : i32
    %dma_start3A_37 = tpu.memref_slice %arg7[%dma_start3A_36] : memref<4096xi32, #tpu.memory_space<vmem>> -> memref<1024xi32, #tpu.memory_space<vmem>>
    %dma_start3A_38 = tpu.memref_slice %arg2[%add3A_35] : memref<131072xi32, #tpu.memory_space<hbm>> -> memref<1024xi32, #tpu.memory_space<hbm>>
    %dma_start3A_39 = arith.constant 3072 : i32
    %dma_start3A_40 = tpu.memref_slice %arg7[%dma_start3A_39] : memref<4096xi32, #tpu.memory_space<vmem>> -> memref<1024xi32, #tpu.memory_space<vmem>>
    %dma_start3A_41 = tpu.memref_slice %arg2[%add3A_35] : memref<131072xi32, #tpu.memory_space<hbm>> -> memref<1024xi32, #tpu.memory_space<hbm>>
    tpu.enqueue_dma source(%dma_start3A_41 : memref<1024xi32, #tpu.memory_space<hbm>>) target(%dma_start3A_40 : memref<1024xi32, #tpu.memory_space<vmem>>) target_semaphore(%arg16 : memref<!tpu.dma_semaphore, #tpu.memory_space<semaphore_mem>>)
    %dma_wait3A = arith.constant 0 : i32
    %dma_wait3A_42 = tpu.memref_slice %arg7[%dma_wait3A] : memref<4096xi32, #tpu.memory_space<vmem>> -> memref<1024xi32, #tpu.memory_space<vmem>>
    %dma_wait3A_43 = arith.constant 0 : i32
    %dma_wait3A_44 = tpu.memref_slice %arg2[%dma_wait3A_43] : memref<131072xi32, #tpu.memory_space<hbm>> -> memref<1024xi32, #tpu.memory_space<hbm>>
    %dma_wait3A_45 = arith.constant 0 : i32
    %dma_wait3A_46 = tpu.memref_slice %arg7[%dma_wait3A_45] : memref<4096xi32, #tpu.memory_space<vmem>> -> memref<1024xi32, #tpu.memory_space<vmem>>
    %dma_wait3A_47 = arith.constant 0 : i32
    %dma_wait3A_48 = tpu.memref_slice %arg2[%dma_wait3A_47] : memref<131072xi32, #tpu.memory_space<hbm>> -> memref<1024xi32, #tpu.memory_space<hbm>>
    tpu.wait_dma2 semaphore(%arg13 : memref<!tpu.dma_semaphore, #tpu.memory_space<semaphore_mem>>) src(%dma_wait3A_48 : memref<1024xi32, #tpu.memory_space<hbm>>) dst(%dma_wait3A_46 : memref<1024xi32, #tpu.memory_space<vmem>>)
    %dma_start3A_49 = arith.constant 0 : i32
    %dma_start3A_50 = arith.constant 0 : i32
    %dma_start3A_51 = arith.constant 0 : i32
    %dma_start3A_52 = tpu.memref_slice %arg8[%dma_start3A_51] : memref<4096xf32, #tpu.memory_space<vmem>> -> memref<128xf32, #tpu.memory_space<vmem>>
    %dma_start3A_53 = arith.constant 0 : i32
    %dma_start3A_54 = tpu.memref_slice %arg7[%dma_start3A_53] : memref<4096xi32, #tpu.memory_space<vmem>> -> memref<128xi32, #tpu.memory_space<vmem>>
    %dma_start3A_55 = arith.constant 0 : i32
    %dma_start3A_56 = tpu.memref_slice %arg4[%dma_start3A_49, %dma_start3A_50, %dma_start3A_55] : memref<8x1x1000000xf32, #tpu.memory_space<hbm>> -> memref<1x1x1000000xf32, #tpu.memory_space<hbm>>
    %dma_start3A_57 = tpu.memref_squeeze %dma_start3A_56 : memref<1x1x1000000xf32, #tpu.memory_space<hbm>> -> memref<1000000xf32, #tpu.memory_space<hbm>>
    %dma_start3A_58 = arith.constant 0 : i32
    %dma_start3A_59 = tpu.memref_slice %dma_start3A_57[%dma_start3A_58] : memref<1000000xf32, #tpu.memory_space<hbm>> -> memref<1000000xf32, #tpu.memory_space<hbm>>
    tpu.enqueue_indirect_dma source(%dma_start3A_59 : memref<1000000xf32, #tpu.memory_space<hbm>>) target(%dma_start3A_52 : memref<128xf32, #tpu.memory_space<vmem>>) offsets(%dma_start3A_54 : memref<128xi32, #tpu.memory_space<vmem>>) semaphore(%arg12 : memref<!tpu.dma_semaphore, #tpu.memory_space<semaphore_mem>>)
    %dma_start3A_60 = arith.constant 1 : i32
    %dma_start3A_61 = arith.constant 0 : i32
    %dma_start3A_62 = arith.constant 512 : i32
    %dma_start3A_63 = tpu.memref_slice %arg8[%dma_start3A_62] : memref<4096xf32, #tpu.memory_space<vmem>> -> memref<128xf32, #tpu.memory_space<vmem>>
    %dma_start3A_64 = arith.constant 128 : i32
    %dma_start3A_65 = tpu.memref_slice %arg7[%dma_start3A_64] : memref<4096xi32, #tpu.memory_space<vmem>> -> memref<128xi32, #tpu.memory_space<vmem>>
    %dma_start3A_66 = arith.constant 0 : i32
    %dma_start3A_67 = tpu.memref_slice %arg4[%dma_start3A_60, %dma_start3A_61, %dma_start3A_66] : memref<8x1x1000000xf32, #tpu.memory_space<hbm>> -> memref<1x1x1000000xf32, #tpu.memory_space<hbm>>
    %dma_start3A_68 = tpu.memref_squeeze %dma_start3A_67 : memref<1x1x1000000xf32, #tpu.memory_space<hbm>> -> memref<1000000xf32, #tpu.memory_space<hbm>>
    %dma_start3A_69 = arith.constant 0 : i32
    %dma_start3A_70 = tpu.memref_slice %dma_start3A_68[%dma_start3A_69] : memref<1000000xf32, #tpu.memory_space<hbm>> -> memref<1000000xf32, #tpu.memory_space<hbm>>
    tpu.enqueue_indirect_dma source(%dma_start3A_70 : memref<1000000xf32, #tpu.memory_space<hbm>>) target(%dma_start3A_63 : memref<128xf32, #tpu.memory_space<vmem>>) offsets(%dma_start3A_65 : memref<128xi32, #tpu.memory_space<vmem>>) semaphore(%arg12 : memref<!tpu.dma_semaphore, #tpu.memory_space<semaphore_mem>>)
    %dma_start3A_71 = arith.constant 2 : i32
    %dma_start3A_72 = arith.constant 0 : i32
    %dma_start3A_73 = arith.constant 1024 : i32
    %dma_start3A_74 = tpu.memref_slice %arg8[%dma_start3A_73] : memref<4096xf32, #tpu.memory_space<vmem>> -> memref<128xf32, #tpu.memory_space<vmem>>
    %dma_start3A_75 = arith.constant 256 : i32
    %dma_start3A_76 = tpu.memref_slice %arg7[%dma_start3A_75] : memref<4096xi32, #tpu.memory_space<vmem>> -> memref<128xi32, #tpu.memory_space<vmem>>
    %dma_start3A_77 = arith.constant 0 : i32
    %dma_start3A_78 = tpu.memref_slice %arg4[%dma_start3A_71, %dma_start3A_72, %dma_start3A_77] : memref<8x1x1000000xf32, #tpu.memory_space<hbm>> -> memref<1x1x1000000xf32, #tpu.memory_space<hbm>>
    %dma_start3A_79 = tpu.memref_squeeze %dma_start3A_78 : memref<1x1x1000000xf32, #tpu.memory_space<hbm>> -> memref<1000000xf32, #tpu.memory_space<hbm>>
    %dma_start3A_80 = arith.constant 0 : i32
    %dma_start3A_81 = tpu.memref_slice %dma_start3A_79[%dma_start3A_80] : memref<1000000xf32, #tpu.memory_space<hbm>> -> memref<1000000xf32, #tpu.memory_space<hbm>>
    tpu.enqueue_indirect_dma source(%dma_start3A_81 : memref<1000000xf32, #tpu.memory_space<hbm>>) target(%dma_start3A_74 : memref<128xf32, #tpu.memory_space<vmem>>) offsets(%dma_start3A_76 : memref<128xi32, #tpu.memory_space<vmem>>) semaphore(%arg12 : memref<!tpu.dma_semaphore, #tpu.memory_space<semaphore_mem>>)
    %dma_start3A_82 = arith.constant 3 : i32
    %dma_start3A_83 = arith.constant 0 : i32
    %dma_start3A_84 = arith.constant 1536 : i32
    %dma_start3A_85 = tpu.memref_slice %arg8[%dma_start3A_84] : memref<4096xf32, #tpu.memory_space<vmem>> -> memref<128xf32, #tpu.memory_space<vmem>>
    %dma_start3A_86 = arith.constant 384 : i32
    %dma_start3A_87 = tpu.memref_slice %arg7[%dma_start3A_86] : memref<4096xi32, #tpu.memory_space<vmem>> -> memref<128xi32, #tpu.memory_space<vmem>>
    %dma_start3A_88 = arith.constant 0 : i32
    %dma_start3A_89 = tpu.memref_slice %arg4[%dma_start3A_82, %dma_start3A_83, %dma_start3A_88] : memref<8x1x1000000xf32, #tpu.memory_space<hbm>> -> memref<1x1x1000000xf32, #tpu.memory_space<hbm>>
    %dma_start3A_90 = tpu.memref_squeeze %dma_start3A_89 : memref<1x1x1000000xf32, #tpu.memory_space<hbm>> -> memref<1000000xf32, #tpu.memory_space<hbm>>
    %dma_start3A_91 = arith.constant 0 : i32
    %dma_start3A_92 = tpu.memref_slice %dma_start3A_90[%dma_start3A_91] : memref<1000000xf32, #tpu.memory_space<hbm>> -> memref<1000000xf32, #tpu.memory_space<hbm>>
    tpu.enqueue_indirect_dma source(%dma_start3A_92 : memref<1000000xf32, #tpu.memory_space<hbm>>) target(%dma_start3A_85 : memref<128xf32, #tpu.memory_space<vmem>>) offsets(%dma_start3A_87 : memref<128xi32, #tpu.memory_space<vmem>>) semaphore(%arg12 : memref<!tpu.dma_semaphore, #tpu.memory_space<semaphore_mem>>)
    %dma_start3A_93 = arith.constant 4 : i32
    %dma_start3A_94 = arith.constant 0 : i32
    %dma_start3A_95 = arith.constant 2048 : i32
    %dma_start3A_96 = tpu.memref_slice %arg8[%dma_start3A_95] : memref<4096xf32, #tpu.memory_space<vmem>> -> memref<128xf32, #tpu.memory_space<vmem>>
    %dma_start3A_97 = arith.constant 512 : i32
    %dma_start3A_98 = tpu.memref_slice %arg7[%dma_start3A_97] : memref<4096xi32, #tpu.memory_space<vmem>> -> memref<128xi32, #tpu.memory_space<vmem>>
    %dma_start3A_99 = arith.constant 0 : i32
    %dma_start3A_100 = tpu.memref_slice %arg4[%dma_start3A_93, %dma_start3A_94, %dma_start3A_99] : memref<8x1x1000000xf32, #tpu.memory_space<hbm>> -> memref<1x1x1000000xf32, #tpu.memory_space<hbm>>
    %dma_start3A_101 = tpu.memref_squeeze %dma_start3A_100 : memref<1x1x1000000xf32, #tpu.memory_space<hbm>> -> memref<1000000xf32, #tpu.memory_space<hbm>>
    %dma_start3A_102 = arith.constant 0 : i32
    %dma_start3A_103 = tpu.memref_slice %dma_start3A_101[%dma_start3A_102] : memref<1000000xf32, #tpu.memory_space<hbm>> -> memref<1000000xf32, #tpu.memory_space<hbm>>
    tpu.enqueue_indirect_dma source(%dma_start3A_103 : memref<1000000xf32, #tpu.memory_space<hbm>>) target(%dma_start3A_96 : memref<128xf32, #tpu.memory_space<vmem>>) offsets(%dma_start3A_98 : memref<128xi32, #tpu.memory_space<vmem>>) semaphore(%arg12 : memref<!tpu.dma_semaphore, #tpu.memory_space<semaphore_mem>>)
    %dma_start3A_104 = arith.constant 5 : i32
    %dma_start3A_105 = arith.constant 0 : i32
    %dma_start3A_106 = arith.constant 2560 : i32
    %dma_start3A_107 = tpu.memref_slice %arg8[%dma_start3A_106] : memref<4096xf32, #tpu.memory_space<vmem>> -> memref<128xf32, #tpu.memory_space<vmem>>
    %dma_start3A_108 = arith.constant 640 : i32
    %dma_start3A_109 = tpu.memref_slice %arg7[%dma_start3A_108] : memref<4096xi32, #tpu.memory_space<vmem>> -> memref<128xi32, #tpu.memory_space<vmem>>
    %dma_start3A_110 = arith.constant 0 : i32
    %dma_start3A_111 = tpu.memref_slice %arg4[%dma_start3A_104, %dma_start3A_105, %dma_start3A_110] : memref<8x1x1000000xf32, #tpu.memory_space<hbm>> -> memref<1x1x1000000xf32, #tpu.memory_space<hbm>>
    %dma_start3A_112 = tpu.memref_squeeze %dma_start3A_111 : memref<1x1x1000000xf32, #tpu.memory_space<hbm>> -> memref<1000000xf32, #tpu.memory_space<hbm>>
    %dma_start3A_113 = arith.constant 0 : i32
    %dma_start3A_114 = tpu.memref_slice %dma_start3A_112[%dma_start3A_113] : memref<1000000xf32, #tpu.memory_space<hbm>> -> memref<1000000xf32, #tpu.memory_space<hbm>>
    tpu.enqueue_indirect_dma source(%dma_start3A_114 : memref<1000000xf32, #tpu.memory_space<hbm>>) target(%dma_start3A_107 : memref<128xf32, #tpu.memory_space<vmem>>) offsets(%dma_start3A_109 : memref<128xi32, #tpu.memory_space<vmem>>) semaphore(%arg12 : memref<!tpu.dma_semaphore, #tpu.memory_space<semaphore_mem>>)
    %dma_start3A_115 = arith.constant 6 : i32
    %dma_start3A_116 = arith.constant 0 : i32
    %dma_start3A_117 = arith.constant 3072 : i32
    %dma_start3A_118 = tpu.memref_slice %arg8[%dma_start3A_117] : memref<4096xf32, #tpu.memory_space<vmem>> -> memref<128xf32, #tpu.memory_space<vmem>>
    %dma_start3A_119 = arith.constant 768 : i32
    %dma_start3A_120 = tpu.memref_slice %arg7[%dma_start3A_119] : memref<4096xi32, #tpu.memory_space<vmem>> -> memref<128xi32, #tpu.memory_space<vmem>>
    %dma_start3A_121 = arith.constant 0 : i32
    %dma_start3A_122 = tpu.memref_slice %arg4[%dma_start3A_115, %dma_start3A_116, %dma_start3A_121] : memref<8x1x1000000xf32, #tpu.memory_space<hbm>> -> memref<1x1x1000000xf32, #tpu.memory_space<hbm>>
    %dma_start3A_123 = tpu.memref_squeeze %dma_start3A_122 : memref<1x1x1000000xf32, #tpu.memory_space<hbm>> -> memref<1000000xf32, #tpu.memory_space<hbm>>
    %dma_start3A_124 = arith.constant 0 : i32
    %dma_start3A_125 = tpu.memref_slice %dma_start3A_123[%dma_start3A_124] : memref<1000000xf32, #tpu.memory_space<hbm>> -> memref<1000000xf32, #tpu.memory_space<hbm>>
    tpu.enqueue_indirect_dma source(%dma_start3A_125 : memref<1000000xf32, #tpu.memory_space<hbm>>) target(%dma_start3A_118 : memref<128xf32, #tpu.memory_space<vmem>>) offsets(%dma_start3A_120 : memref<128xi32, #tpu.memory_space<vmem>>) semaphore(%arg12 : memref<!tpu.dma_semaphore, #tpu.memory_space<semaphore_mem>>)
    %dma_start3A_126 = arith.constant 7 : i32
    %dma_start3A_127 = arith.constant 0 : i32
    %dma_start3A_128 = arith.constant 3584 : i32
    %dma_start3A_129 = tpu.memref_slice %arg8[%dma_start3A_128] : memref<4096xf32, #tpu.memory_space<vmem>> -> memref<128xf32, #tpu.memory_space<vmem>>
    %dma_start3A_130 = arith.constant 896 : i32
    %dma_start3A_131 = tpu.memref_slice %arg7[%dma_start3A_130] : memref<4096xi32, #tpu.memory_space<vmem>> -> memref<128xi32, #tpu.memory_space<vmem>>
    %dma_start3A_132 = arith.constant 0 : i32
    %dma_start3A_133 = tpu.memref_slice %arg4[%dma_start3A_126, %dma_start3A_127, %dma_start3A_132] : memref<8x1x1000000xf32, #tpu.memory_space<hbm>> -> memref<1x1x1000000xf32, #tpu.memory_space<hbm>>
    %dma_start3A_134 = tpu.memref_squeeze %dma_start3A_133 : memref<1x1x1000000xf32, #tpu.memory_space<hbm>> -> memref<1000000xf32, #tpu.memory_space<hbm>>
    %dma_start3A_135 = arith.constant 0 : i32
    %dma_start3A_136 = tpu.memref_slice %dma_start3A_134[%dma_start3A_135] : memref<1000000xf32, #tpu.memory_space<hbm>> -> memref<1000000xf32, #tpu.memory_space<hbm>>
    tpu.enqueue_indirect_dma source(%dma_start3A_136 : memref<1000000xf32, #tpu.memory_space<hbm>>) target(%dma_start3A_129 : memref<128xf32, #tpu.memory_space<vmem>>) offsets(%dma_start3A_131 : memref<128xi32, #tpu.memory_space<vmem>>) semaphore(%arg12 : memref<!tpu.dma_semaphore, #tpu.memory_space<semaphore_mem>>)
    %dma_wait3A_137 = arith.constant 0 : i32
    %dma_wait3A_138 = tpu.memref_slice %arg7[%dma_wait3A_137] : memref<4096xi32, #tpu.memory_space<vmem>> -> memref<1024xi32, #tpu.memory_space<vmem>>
    %dma_wait3A_139 = arith.constant 0 : i32
    %dma_wait3A_140 = tpu.memref_slice %arg2[%dma_wait3A_139] : memref<131072xi32, #tpu.memory_space<hbm>> -> memref<1024xi32, #tpu.memory_space<hbm>>
    %dma_wait3A_141 = arith.constant 0 : i32
    %dma_wait3A_142 = tpu.memref_slice %arg7[%dma_wait3A_141] : memref<4096xi32, #tpu.memory_space<vmem>> -> memref<1024xi32, #tpu.memory_space<vmem>>
    %dma_wait3A_143 = arith.constant 0 : i32
    %dma_wait3A_144 = tpu.memref_slice %arg2[%dma_wait3A_143] : memref<131072xi32, #tpu.memory_space<hbm>> -> memref<1024xi32, #tpu.memory_space<hbm>>
    tpu.wait_dma2 semaphore(%arg14 : memref<!tpu.dma_semaphore, #tpu.memory_space<semaphore_mem>>) src(%dma_wait3A_144 : memref<1024xi32, #tpu.memory_space<hbm>>) dst(%dma_wait3A_142 : memref<1024xi32, #tpu.memory_space<vmem>>)
    %dma_start3A_145 = arith.constant 0 : i32
    %dma_start3A_146 = arith.constant 0 : i32
    %dma_start3A_147 = arith.constant 128 : i32
    %dma_start3A_148 = tpu.memref_slice %arg8[%dma_start3A_147] : memref<4096xf32, #tpu.memory_space<vmem>> -> memref<128xf32, #tpu.memory_space<vmem>>
    %dma_start3A_149 = arith.constant 1024 : i32
    %dma_start3A_150 = tpu.memref_slice %arg7[%dma_start3A_149] : memref<4096xi32, #tpu.memory_space<vmem>> -> memref<128xi32, #tpu.memory_space<vmem>>
    %dma_start3A_151 = arith.constant 0 : i32
    %dma_start3A_152 = tpu.memref_slice %arg4[%dma_start3A_145, %dma_start3A_146, %dma_start3A_151] : memref<8x1x1000000xf32, #tpu.memory_space<hbm>> -> memref<1x1x1000000xf32, #tpu.memory_space<hbm>>
    %dma_start3A_153 = tpu.memref_squeeze %dma_start3A_152 : memref<1x1x1000000xf32, #tpu.memory_space<hbm>> -> memref<1000000xf32, #tpu.memory_space<hbm>>
    %dma_start3A_154 = arith.constant 0 : i32
    %dma_start3A_155 = tpu.memref_slice %dma_start3A_153[%dma_start3A_154] : memref<1000000xf32, #tpu.memory_space<hbm>> -> memref<1000000xf32, #tpu.memory_space<hbm>>
    tpu.enqueue_indirect_dma source(%dma_start3A_155 : memref<1000000xf32, #tpu.memory_space<hbm>>) target(%dma_start3A_148 : memref<128xf32, #tpu.memory_space<vmem>>) offsets(%dma_start3A_150 : memref<128xi32, #tpu.memory_space<vmem>>) semaphore(%arg12 : memref<!tpu.dma_semaphore, #tpu.memory_space<semaphore_mem>>)
    %dma_start3A_156 = arith.constant 1 : i32
    %dma_start3A_157 = arith.constant 0 : i32
    %dma_start3A_158 = arith.constant 640 : i32
    %dma_start3A_159 = tpu.memref_slice %arg8[%dma_start3A_158] : memref<4096xf32, #tpu.memory_space<vmem>> -> memref<128xf32, #tpu.memory_space<vmem>>
    %dma_start3A_160 = arith.constant 1152 : i32
    %dma_start3A_161 = tpu.memref_slice %arg7[%dma_start3A_160] : memref<4096xi32, #tpu.memory_space<vmem>> -> memref<128xi32, #tpu.memory_space<vmem>>
    %dma_start3A_162 = arith.constant 0 : i32
    %dma_start3A_163 = tpu.memref_slice %arg4[%dma_start3A_156, %dma_start3A_157, %dma_start3A_162] : memref<8x1x1000000xf32, #tpu.memory_space<hbm>> -> memref<1x1x1000000xf32, #tpu.memory_space<hbm>>
    %dma_start3A_164 = tpu.memref_squeeze %dma_start3A_163 : memref<1x1x1000000xf32, #tpu.memory_space<hbm>> -> memref<1000000xf32, #tpu.memory_space<hbm>>
    %dma_start3A_165 = arith.constant 0 : i32
    %dma_start3A_166 = tpu.memref_slice %dma_start3A_164[%dma_start3A_165] : memref<1000000xf32, #tpu.memory_space<hbm>> -> memref<1000000xf32, #tpu.memory_space<hbm>>
    tpu.enqueue_indirect_dma source(%dma_start3A_166 : memref<1000000xf32, #tpu.memory_space<hbm>>) target(%dma_start3A_159 : memref<128xf32, #tpu.memory_space<vmem>>) offsets(%dma_start3A_161 : memref<128xi32, #tpu.memory_space<vmem>>) semaphore(%arg12 : memref<!tpu.dma_semaphore, #tpu.memory_space<semaphore_mem>>)
    %dma_start3A_167 = arith.constant 2 : i32
    %dma_start3A_168 = arith.constant 0 : i32
    %dma_start3A_169 = arith.constant 1152 : i32
    %dma_start3A_170 = tpu.memref_slice %arg8[%dma_start3A_169] : memref<4096xf32, #tpu.memory_space<vmem>> -> memref<128xf32, #tpu.memory_space<vmem>>
    %dma_start3A_171 = arith.constant 1280 : i32
    %dma_start3A_172 = tpu.memref_slice %arg7[%dma_start3A_171] : memref<4096xi32, #tpu.memory_space<vmem>> -> memref<128xi32, #tpu.memory_space<vmem>>
    %dma_start3A_173 = arith.constant 0 : i32
    %dma_start3A_174 = tpu.memref_slice %arg4[%dma_start3A_167, %dma_start3A_168, %dma_start3A_173] : memref<8x1x1000000xf32, #tpu.memory_space<hbm>> -> memref<1x1x1000000xf32, #tpu.memory_space<hbm>>
    %dma_start3A_175 = tpu.memref_squeeze %dma_start3A_174 : memref<1x1x1000000xf32, #tpu.memory_space<hbm>> -> memref<1000000xf32, #tpu.memory_space<hbm>>
    %dma_start3A_176 = arith.constant 0 : i32
    %dma_start3A_177 = tpu.memref_slice %dma_start3A_175[%dma_start3A_176] : memref<1000000xf32, #tpu.memory_space<hbm>> -> memref<1000000xf32, #tpu.memory_space<hbm>>
    tpu.enqueue_indirect_dma source(%dma_start3A_177 : memref<1000000xf32, #tpu.memory_space<hbm>>) target(%dma_start3A_170 : memref<128xf32, #tpu.memory_space<vmem>>) offsets(%dma_start3A_172 : memref<128xi32, #tpu.memory_space<vmem>>) semaphore(%arg12 : memref<!tpu.dma_semaphore, #tpu.memory_space<semaphore_mem>>)
    %dma_start3A_178 = arith.constant 3 : i32
    %dma_start3A_179 = arith.constant 0 : i32
    %dma_start3A_180 = arith.constant 1664 : i32
    %dma_start3A_181 = tpu.memref_slice %arg8[%dma_start3A_180] : memref<4096xf32, #tpu.memory_space<vmem>> -> memref<128xf32, #tpu.memory_space<vmem>>
    %dma_start3A_182 = arith.constant 1408 : i32
    %dma_start3A_183 = tpu.memref_slice %arg7[%dma_start3A_182] : memref<4096xi32, #tpu.memory_space<vmem>> -> memref<128xi32, #tpu.memory_space<vmem>>
    %dma_start3A_184 = arith.constant 0 : i32
    %dma_start3A_185 = tpu.memref_slice %arg4[%dma_start3A_178, %dma_start3A_179, %dma_start3A_184] : memref<8x1x1000000xf32, #tpu.memory_space<hbm>> -> memref<1x1x1000000xf32, #tpu.memory_space<hbm>>
    %dma_start3A_186 = tpu.memref_squeeze %dma_start3A_185 : memref<1x1x1000000xf32, #tpu.memory_space<hbm>> -> memref<1000000xf32, #tpu.memory_space<hbm>>
    %dma_start3A_187 = arith.constant 0 : i32
    %dma_start3A_188 = tpu.memref_slice %dma_start3A_186[%dma_start3A_187] : memref<1000000xf32, #tpu.memory_space<hbm>> -> memref<1000000xf32, #tpu.memory_space<hbm>>
    tpu.enqueue_indirect_dma source(%dma_start3A_188 : memref<1000000xf32, #tpu.memory_space<hbm>>) target(%dma_start3A_181 : memref<128xf32, #tpu.memory_space<vmem>>) offsets(%dma_start3A_183 : memref<128xi32, #tpu.memory_space<vmem>>) semaphore(%arg12 : memref<!tpu.dma_semaphore, #tpu.memory_space<semaphore_mem>>)
    %dma_start3A_189 = arith.constant 4 : i32
    %dma_start3A_190 = arith.constant 0 : i32
    %dma_start3A_191 = arith.constant 2176 : i32
    %dma_start3A_192 = tpu.memref_slice %arg8[%dma_start3A_191] : memref<4096xf32, #tpu.memory_space<vmem>> -> memref<128xf32, #tpu.memory_space<vmem>>
    %dma_start3A_193 = arith.constant 1536 : i32
    %dma_start3A_194 = tpu.memref_slice %arg7[%dma_start3A_193] : memref<4096xi32, #tpu.memory_space<vmem>> -> memref<128xi32, #tpu.memory_space<vmem>>
    %dma_start3A_195 = arith.constant 0 : i32
    %dma_start3A_196 = tpu.memref_slice %arg4[%dma_start3A_189, %dma_start3A_190, %dma_start3A_195] : memref<8x1x1000000xf32, #tpu.memory_space<hbm>> -> memref<1x1x1000000xf32, #tpu.memory_space<hbm>>
    %dma_start3A_197 = tpu.memref_squeeze %dma_start3A_196 : memref<1x1x1000000xf32, #tpu.memory_space<hbm>> -> memref<1000000xf32, #tpu.memory_space<hbm>>
    %dma_start3A_198 = arith.constant 0 : i32
    %dma_start3A_199 = tpu.memref_slice %dma_start3A_197[%dma_start3A_198] : memref<1000000xf32, #tpu.memory_space<hbm>> -> memref<1000000xf32, #tpu.memory_space<hbm>>
    tpu.enqueue_indirect_dma source(%dma_start3A_199 : memref<1000000xf32, #tpu.memory_space<hbm>>) target(%dma_start3A_192 : memref<128xf32, #tpu.memory_space<vmem>>) offsets(%dma_start3A_194 : memref<128xi32, #tpu.memory_space<vmem>>) semaphore(%arg12 : memref<!tpu.dma_semaphore, #tpu.memory_space<semaphore_mem>>)
    %dma_start3A_200 = arith.constant 5 : i32
    %dma_start3A_201 = arith.constant 0 : i32
    %dma_start3A_202 = arith.constant 2688 : i32
    %dma_start3A_203 = tpu.memref_slice %arg8[%dma_start3A_202] : memref<4096xf32, #tpu.memory_space<vmem>> -> memref<128xf32, #tpu.memory_space<vmem>>
    %dma_start3A_204 = arith.constant 1664 : i32
    %dma_start3A_205 = tpu.memref_slice %arg7[%dma_start3A_204] : memref<4096xi32, #tpu.memory_space<vmem>> -> memref<128xi32, #tpu.memory_space<vmem>>
    %dma_start3A_206 = arith.constant 0 : i32
    %dma_start3A_207 = tpu.memref_slice %arg4[%dma_start3A_200, %dma_start3A_201, %dma_start3A_206] : memref<8x1x1000000xf32, #tpu.memory_space<hbm>> -> memref<1x1x1000000xf32, #tpu.memory_space<hbm>>
    %dma_start3A_208 = tpu.memref_squeeze %dma_start3A_207 : memref<1x1x1000000xf32, #tpu.memory_space<hbm>> -> memref<1000000xf32, #tpu.memory_space<hbm>>
    %dma_start3A_209 = arith.constant 0 : i32
    %dma_start3A_210 = tpu.memref_slice %dma_start3A_208[%dma_start3A_209] : memref<1000000xf32, #tpu.memory_space<hbm>> -> memref<1000000xf32, #tpu.memory_space<hbm>>
    tpu.enqueue_indirect_dma source(%dma_start3A_210 : memref<1000000xf32, #tpu.memory_space<hbm>>) target(%dma_start3A_203 : memref<128xf32, #tpu.memory_space<vmem>>) offsets(%dma_start3A_205 : memref<128xi32, #tpu.memory_space<vmem>>) semaphore(%arg12 : memref<!tpu.dma_semaphore, #tpu.memory_space<semaphore_mem>>)
    %dma_start3A_211 = arith.constant 6 : i32
    %dma_start3A_212 = arith.constant 0 : i32
    %dma_start3A_213 = arith.constant 3200 : i32
    %dma_start3A_214 = tpu.memref_slice %arg8[%dma_start3A_213] : memref<4096xf32, #tpu.memory_space<vmem>> -> memref<128xf32, #tpu.memory_space<vmem>>
    %dma_start3A_215 = arith.constant 1792 : i32
    %dma_start3A_216 = tpu.memref_slice %arg7[%dma_start3A_215] : memref<4096xi32, #tpu.memory_space<vmem>> -> memref<128xi32, #tpu.memory_space<vmem>>
    %dma_start3A_217 = arith.constant 0 : i32
    %dma_start3A_218 = tpu.memref_slice %arg4[%dma_start3A_211, %dma_start3A_212, %dma_start3A_217] : memref<8x1x1000000xf32, #tpu.memory_space<hbm>> -> memref<1x1x1000000xf32, #tpu.memory_space<hbm>>
    %dma_start3A_219 = tpu.memref_squeeze %dma_start3A_218 : memref<1x1x1000000xf32, #tpu.memory_space<hbm>> -> memref<1000000xf32, #tpu.memory_space<hbm>>
    %dma_start3A_220 = arith.constant 0 : i32
    %dma_start3A_221 = tpu.memref_slice %dma_start3A_219[%dma_start3A_220] : memref<1000000xf32, #tpu.memory_space<hbm>> -> memref<1000000xf32, #tpu.memory_space<hbm>>
    tpu.enqueue_indirect_dma source(%dma_start3A_221 : memref<1000000xf32, #tpu.memory_space<hbm>>) target(%dma_start3A_214 : memref<128xf32, #tpu.memory_space<vmem>>) offsets(%dma_start3A_216 : memref<128xi32, #tpu.memory_space<vmem>>) semaphore(%arg12 : memref<!tpu.dma_semaphore, #tpu.memory_space<semaphore_mem>>)
    %dma_start3A_222 = arith.constant 7 : i32
    %dma_start3A_223 = arith.constant 0 : i32
    %dma_start3A_224 = arith.constant 3712 : i32
    %dma_start3A_225 = tpu.memref_slice %arg8[%dma_start3A_224] : memref<4096xf32, #tpu.memory_space<vmem>> -> memref<128xf32, #tpu.memory_space<vmem>>
    %dma_start3A_226 = arith.constant 1920 : i32
    %dma_start3A_227 = tpu.memref_slice %arg7[%dma_start3A_226] : memref<4096xi32, #tpu.memory_space<vmem>> -> memref<128xi32, #tpu.memory_space<vmem>>
    %dma_start3A_228 = arith.constant 0 : i32
    %dma_start3A_229 = tpu.memref_slice %arg4[%dma_start3A_222, %dma_start3A_223, %dma_start3A_228] : memref<8x1x1000000xf32, #tpu.memory_space<hbm>> -> memref<1x1x1000000xf32, #tpu.memory_space<hbm>>
    %dma_start3A_230 = tpu.memref_squeeze %dma_start3A_229 : memref<1x1x1000000xf32, #tpu.memory_space<hbm>> -> memref<1000000xf32, #tpu.memory_space<hbm>>
    %dma_start3A_231 = arith.constant 0 : i32
    %dma_start3A_232 = tpu.memref_slice %dma_start3A_230[%dma_start3A_231] : memref<1000000xf32, #tpu.memory_space<hbm>> -> memref<1000000xf32, #tpu.memory_space<hbm>>
    tpu.enqueue_indirect_dma source(%dma_start3A_232 : memref<1000000xf32, #tpu.memory_space<hbm>>) target(%dma_start3A_225 : memref<128xf32, #tpu.memory_space<vmem>>) offsets(%dma_start3A_227 : memref<128xi32, #tpu.memory_space<vmem>>) semaphore(%arg12 : memref<!tpu.dma_semaphore, #tpu.memory_space<semaphore_mem>>)
    %dma_wait3A_233 = arith.constant 0 : i32
    %dma_wait3A_234 = tpu.memref_slice %arg7[%dma_wait3A_233] : memref<4096xi32, #tpu.memory_space<vmem>> -> memref<1024xi32, #tpu.memory_space<vmem>>
    %dma_wait3A_235 = arith.constant 0 : i32
    %dma_wait3A_236 = tpu.memref_slice %arg2[%dma_wait3A_235] : memref<131072xi32, #tpu.memory_space<hbm>> -> memref<1024xi32, #tpu.memory_space<hbm>>
    %dma_wait3A_237 = arith.constant 0 : i32
    %dma_wait3A_238 = tpu.memref_slice %arg7[%dma_wait3A_237] : memref<4096xi32, #tpu.memory_space<vmem>> -> memref<1024xi32, #tpu.memory_space<vmem>>
    %dma_wait3A_239 = arith.constant 0 : i32
    %dma_wait3A_240 = tpu.memref_slice %arg2[%dma_wait3A_239] : memref<131072xi32, #tpu.memory_space<hbm>> -> memref<1024xi32, #tpu.memory_space<hbm>>
    tpu.wait_dma2 semaphore(%arg15 : memref<!tpu.dma_semaphore, #tpu.memory_space<semaphore_mem>>) src(%dma_wait3A_240 : memref<1024xi32, #tpu.memory_space<hbm>>) dst(%dma_wait3A_238 : memref<1024xi32, #tpu.memory_space<vmem>>)
    %dma_start3A_241 = arith.constant 0 : i32
    %dma_start3A_242 = arith.constant 0 : i32
    %dma_start3A_243 = arith.constant 256 : i32
    %dma_start3A_244 = tpu.memref_slice %arg8[%dma_start3A_243] : memref<4096xf32, #tpu.memory_space<vmem>> -> memref<128xf32, #tpu.memory_space<vmem>>
    %dma_start3A_245 = arith.constant 2048 : i32
    %dma_start3A_246 = tpu.memref_slice %arg7[%dma_start3A_245] : memref<4096xi32, #tpu.memory_space<vmem>> -> memref<128xi32, #tpu.memory_space<vmem>>
    %dma_start3A_247 = arith.constant 0 : i32
    %dma_start3A_248 = tpu.memref_slice %arg4[%dma_start3A_241, %dma_start3A_242, %dma_start3A_247] : memref<8x1x1000000xf32, #tpu.memory_space<hbm>> -> memref<1x1x1000000xf32, #tpu.memory_space<hbm>>
    %dma_start3A_249 = tpu.memref_squeeze %dma_start3A_248 : memref<1x1x1000000xf32, #tpu.memory_space<hbm>> -> memref<1000000xf32, #tpu.memory_space<hbm>>
    %dma_start3A_250 = arith.constant 0 : i32
    %dma_start3A_251 = tpu.memref_slice %dma_start3A_249[%dma_start3A_250] : memref<1000000xf32, #tpu.memory_space<hbm>> -> memref<1000000xf32, #tpu.memory_space<hbm>>
    tpu.enqueue_indirect_dma source(%dma_start3A_251 : memref<1000000xf32, #tpu.memory_space<hbm>>) target(%dma_start3A_244 : memref<128xf32, #tpu.memory_space<vmem>>) offsets(%dma_start3A_246 : memref<128xi32, #tpu.memory_space<vmem>>) semaphore(%arg12 : memref<!tpu.dma_semaphore, #tpu.memory_space<semaphore_mem>>)
    %dma_start3A_252 = arith.constant 1 : i32
    %dma_start3A_253 = arith.constant 0 : i32
    %dma_start3A_254 = arith.constant 768 : i32
    %dma_start3A_255 = tpu.memref_slice %arg8[%dma_start3A_254] : memref<4096xf32, #tpu.memory_space<vmem>> -> memref<128xf32, #tpu.memory_space<vmem>>
    %dma_start3A_256 = arith.constant 2176 : i32
    %dma_start3A_257 = tpu.memref_slice %arg7[%dma_start3A_256] : memref<4096xi32, #tpu.memory_space<vmem>> -> memref<128xi32, #tpu.memory_space<vmem>>
    %dma_start3A_258 = arith.constant 0 : i32
    %dma_start3A_259 = tpu.memref_slice %arg4[%dma_start3A_252, %dma_start3A_253, %dma_start3A_258] : memref<8x1x1000000xf32, #tpu.memory_space<hbm>> -> memref<1x1x1000000xf32, #tpu.memory_space<hbm>>
    %dma_start3A_260 = tpu.memref_squeeze %dma_start3A_259 : memref<1x1x1000000xf32, #tpu.memory_space<hbm>> -> memref<1000000xf32, #tpu.memory_space<hbm>>
    %dma_start3A_261 = arith.constant 0 : i32
    %dma_start3A_262 = tpu.memref_slice %dma_start3A_260[%dma_start3A_261] : memref<1000000xf32, #tpu.memory_space<hbm>> -> memref<1000000xf32, #tpu.memory_space<hbm>>
    tpu.enqueue_indirect_dma source(%dma_start3A_262 : memref<1000000xf32, #tpu.memory_space<hbm>>) target(%dma_start3A_255 : memref<128xf32, #tpu.memory_space<vmem>>) offsets(%dma_start3A_257 : memref<128xi32, #tpu.memory_space<vmem>>) semaphore(%arg12 : memref<!tpu.dma_semaphore, #tpu.memory_space<semaphore_mem>>)
    %dma_start3A_263 = arith.constant 2 : i32
    %dma_start3A_264 = arith.constant 0 : i32
    %dma_start3A_265 = arith.constant 1280 : i32
    %dma_start3A_266 = tpu.memref_slice %arg8[%dma_start3A_265] : memref<4096xf32, #tpu.memory_space<vmem>> -> memref<128xf32, #tpu.memory_space<vmem>>
    %dma_start3A_267 = arith.constant 2304 : i32
    %dma_start3A_268 = tpu.memref_slice %arg7[%dma_start3A_267] : memref<4096xi32, #tpu.memory_space<vmem>> -> memref<128xi32, #tpu.memory_space<vmem>>
    %dma_start3A_269 = arith.constant 0 : i32
    %dma_start3A_270 = tpu.memref_slice %arg4[%dma_start3A_263, %dma_start3A_264, %dma_start3A_269] : memref<8x1x1000000xf32, #tpu.memory_space<hbm>> -> memref<1x1x1000000xf32, #tpu.memory_space<hbm>>
    %dma_start3A_271 = tpu.memref_squeeze %dma_start3A_270 : memref<1x1x1000000xf32, #tpu.memory_space<hbm>> -> memref<1000000xf32, #tpu.memory_space<hbm>>
    %dma_start3A_272 = arith.constant 0 : i32
    %dma_start3A_273 = tpu.memref_slice %dma_start3A_271[%dma_start3A_272] : memref<1000000xf32, #tpu.memory_space<hbm>> -> memref<1000000xf32, #tpu.memory_space<hbm>>
    tpu.enqueue_indirect_dma source(%dma_start3A_273 : memref<1000000xf32, #tpu.memory_space<hbm>>) target(%dma_start3A_266 : memref<128xf32, #tpu.memory_space<vmem>>) offsets(%dma_start3A_268 : memref<128xi32, #tpu.memory_space<vmem>>) semaphore(%arg12 : memref<!tpu.dma_semaphore, #tpu.memory_space<semaphore_mem>>)
    %dma_start3A_274 = arith.constant 3 : i32
    %dma_start3A_275 = arith.constant 0 : i32
    %dma_start3A_276 = arith.constant 1792 : i32
    %dma_start3A_277 = tpu.memref_slice %arg8[%dma_start3A_276] : memref<4096xf32, #tpu.memory_space<vmem>> -> memref<128xf32, #tpu.memory_space<vmem>>
    %dma_start3A_278 = arith.constant 2432 : i32
    %dma_start3A_279 = tpu.memref_slice %arg7[%dma_start3A_278] : memref<4096xi32, #tpu.memory_space<vmem>> -> memref<128xi32, #tpu.memory_space<vmem>>
    %dma_start3A_280 = arith.constant 0 : i32
    %dma_start3A_281 = tpu.memref_slice %arg4[%dma_start3A_274, %dma_start3A_275, %dma_start3A_280] : memref<8x1x1000000xf32, #tpu.memory_space<hbm>> -> memref<1x1x1000000xf32, #tpu.memory_space<hbm>>
    %dma_start3A_282 = tpu.memref_squeeze %dma_start3A_281 : memref<1x1x1000000xf32, #tpu.memory_space<hbm>> -> memref<1000000xf32, #tpu.memory_space<hbm>>
    %dma_start3A_283 = arith.constant 0 : i32
    %dma_start3A_284 = tpu.memref_slice %dma_start3A_282[%dma_start3A_283] : memref<1000000xf32, #tpu.memory_space<hbm>> -> memref<1000000xf32, #tpu.memory_space<hbm>>
    tpu.enqueue_indirect_dma source(%dma_start3A_284 : memref<1000000xf32, #tpu.memory_space<hbm>>) target(%dma_start3A_277 : memref<128xf32, #tpu.memory_space<vmem>>) offsets(%dma_start3A_279 : memref<128xi32, #tpu.memory_space<vmem>>) semaphore(%arg12 : memref<!tpu.dma_semaphore, #tpu.memory_space<semaphore_mem>>)
    %dma_start3A_285 = arith.constant 4 : i32
    %dma_start3A_286 = arith.constant 0 : i32
    %dma_start3A_287 = arith.constant 2304 : i32
    %dma_start3A_288 = tpu.memref_slice %arg8[%dma_start3A_287] : memref<4096xf32, #tpu.memory_space<vmem>> -> memref<128xf32, #tpu.memory_space<vmem>>
    %dma_start3A_289 = arith.constant 2560 : i32
    %dma_start3A_290 = tpu.memref_slice %arg7[%dma_start3A_289] : memref<4096xi32, #tpu.memory_space<vmem>> -> memref<128xi32, #tpu.memory_space<vmem>>
    %dma_start3A_291 = arith.constant 0 : i32
    %dma_start3A_292 = tpu.memref_slice %arg4[%dma_start3A_285, %dma_start3A_286, %dma_start3A_291] : memref<8x1x1000000xf32, #tpu.memory_space<hbm>> -> memref<1x1x1000000xf32, #tpu.memory_space<hbm>>
    %dma_start3A_293 = tpu.memref_squeeze %dma_start3A_292 : memref<1x1x1000000xf32, #tpu.memory_space<hbm>> -> memref<1000000xf32, #tpu.memory_space<hbm>>
    %dma_start3A_294 = arith.constant 0 : i32
    %dma_start3A_295 = tpu.memref_slice %dma_start3A_293[%dma_start3A_294] : memref<1000000xf32, #tpu.memory_space<hbm>> -> memref<1000000xf32, #tpu.memory_space<hbm>>
    tpu.enqueue_indirect_dma source(%dma_start3A_295 : memref<1000000xf32, #tpu.memory_space<hbm>>) target(%dma_start3A_288 : memref<128xf32, #tpu.memory_space<vmem>>) offsets(%dma_start3A_290 : memref<128xi32, #tpu.memory_space<vmem>>) semaphore(%arg12 : memref<!tpu.dma_semaphore, #tpu.memory_space<semaphore_mem>>)
    %dma_start3A_296 = arith.constant 5 : i32
    %dma_start3A_297 = arith.constant 0 : i32
    %dma_start3A_298 = arith.constant 2816 : i32
    %dma_start3A_299 = tpu.memref_slice %arg8[%dma_start3A_298] : memref<4096xf32, #tpu.memory_space<vmem>> -> memref<128xf32, #tpu.memory_space<vmem>>
    %dma_start3A_300 = arith.constant 2688 : i32
    %dma_start3A_301 = tpu.memref_slice %arg7[%dma_start3A_300] : memref<4096xi32, #tpu.memory_space<vmem>> -> memref<128xi32, #tpu.memory_space<vmem>>
    %dma_start3A_302 = arith.constant 0 : i32
    %dma_start3A_303 = tpu.memref_slice %arg4[%dma_start3A_296, %dma_start3A_297, %dma_start3A_302] : memref<8x1x1000000xf32, #tpu.memory_space<hbm>> -> memref<1x1x1000000xf32, #tpu.memory_space<hbm>>
    %dma_start3A_304 = tpu.memref_squeeze %dma_start3A_303 : memref<1x1x1000000xf32, #tpu.memory_space<hbm>> -> memref<1000000xf32, #tpu.memory_space<hbm>>
    %dma_start3A_305 = arith.constant 0 : i32
    %dma_start3A_306 = tpu.memref_slice %dma_start3A_304[%dma_start3A_305] : memref<1000000xf32, #tpu.memory_space<hbm>> -> memref<1000000xf32, #tpu.memory_space<hbm>>
    tpu.enqueue_indirect_dma source(%dma_start3A_306 : memref<1000000xf32, #tpu.memory_space<hbm>>) target(%dma_start3A_299 : memref<128xf32, #tpu.memory_space<vmem>>) offsets(%dma_start3A_301 : memref<128xi32, #tpu.memory_space<vmem>>) semaphore(%arg12 : memref<!tpu.dma_semaphore, #tpu.memory_space<semaphore_mem>>)
    %dma_start3A_307 = arith.constant 6 : i32
    %dma_start3A_308 = arith.constant 0 : i32
    %dma_start3A_309 = arith.constant 3328 : i32
    %dma_start3A_310 = tpu.memref_slice %arg8[%dma_start3A_309] : memref<4096xf32, #tpu.memory_space<vmem>> -> memref<128xf32, #tpu.memory_space<vmem>>
    %dma_start3A_311 = arith.constant 2816 : i32
    %dma_start3A_312 = tpu.memref_slice %arg7[%dma_start3A_311] : memref<4096xi32, #tpu.memory_space<vmem>> -> memref<128xi32, #tpu.memory_space<vmem>>
    %dma_start3A_313 = arith.constant 0 : i32
    %dma_start3A_314 = tpu.memref_slice %arg4[%dma_start3A_307, %dma_start3A_308, %dma_start3A_313] : memref<8x1x1000000xf32, #tpu.memory_space<hbm>> -> memref<1x1x1000000xf32, #tpu.memory_space<hbm>>
    %dma_start3A_315 = tpu.memref_squeeze %dma_start3A_314 : memref<1x1x1000000xf32, #tpu.memory_space<hbm>> -> memref<1000000xf32, #tpu.memory_space<hbm>>
    %dma_start3A_316 = arith.constant 0 : i32
    %dma_start3A_317 = tpu.memref_slice %dma_start3A_315[%dma_start3A_316] : memref<1000000xf32, #tpu.memory_space<hbm>> -> memref<1000000xf32, #tpu.memory_space<hbm>>
    tpu.enqueue_indirect_dma source(%dma_start3A_317 : memref<1000000xf32, #tpu.memory_space<hbm>>) target(%dma_start3A_310 : memref<128xf32, #tpu.memory_space<vmem>>) offsets(%dma_start3A_312 : memref<128xi32, #tpu.memory_space<vmem>>) semaphore(%arg12 : memref<!tpu.dma_semaphore, #tpu.memory_space<semaphore_mem>>)
    %dma_start3A_318 = arith.constant 7 : i32
    %dma_start3A_319 = arith.constant 0 : i32
    %dma_start3A_320 = arith.constant 3840 : i32
    %dma_start3A_321 = tpu.memref_slice %arg8[%dma_start3A_320] : memref<4096xf32, #tpu.memory_space<vmem>> -> memref<128xf32, #tpu.memory_space<vmem>>
    %dma_start3A_322 = arith.constant 2944 : i32
    %dma_start3A_323 = tpu.memref_slice %arg7[%dma_start3A_322] : memref<4096xi32, #tpu.memory_space<vmem>> -> memref<128xi32, #tpu.memory_space<vmem>>
    %dma_start3A_324 = arith.constant 0 : i32
    %dma_start3A_325 = tpu.memref_slice %arg4[%dma_start3A_318, %dma_start3A_319, %dma_start3A_324] : memref<8x1x1000000xf32, #tpu.memory_space<hbm>> -> memref<1x1x1000000xf32, #tpu.memory_space<hbm>>
    %dma_start3A_326 = tpu.memref_squeeze %dma_start3A_325 : memref<1x1x1000000xf32, #tpu.memory_space<hbm>> -> memref<1000000xf32, #tpu.memory_space<hbm>>
    %dma_start3A_327 = arith.constant 0 : i32
    %dma_start3A_328 = tpu.memref_slice %dma_start3A_326[%dma_start3A_327] : memref<1000000xf32, #tpu.memory_space<hbm>> -> memref<1000000xf32, #tpu.memory_space<hbm>>
    tpu.enqueue_indirect_dma source(%dma_start3A_328 : memref<1000000xf32, #tpu.memory_space<hbm>>) target(%dma_start3A_321 : memref<128xf32, #tpu.memory_space<vmem>>) offsets(%dma_start3A_323 : memref<128xi32, #tpu.memory_space<vmem>>) semaphore(%arg12 : memref<!tpu.dma_semaphore, #tpu.memory_space<semaphore_mem>>)
    %dma_wait3A_329 = arith.constant 0 : i32
    %dma_wait3A_330 = tpu.memref_slice %arg7[%dma_wait3A_329] : memref<4096xi32, #tpu.memory_space<vmem>> -> memref<1024xi32, #tpu.memory_space<vmem>>
    %dma_wait3A_331 = arith.constant 0 : i32
    %dma_wait3A_332 = tpu.memref_slice %arg2[%dma_wait3A_331] : memref<131072xi32, #tpu.memory_space<hbm>> -> memref<1024xi32, #tpu.memory_space<hbm>>
    %dma_wait3A_333 = arith.constant 0 : i32
    %dma_wait3A_334 = tpu.memref_slice %arg7[%dma_wait3A_333] : memref<4096xi32, #tpu.memory_space<vmem>> -> memref<1024xi32, #tpu.memory_space<vmem>>
    %dma_wait3A_335 = arith.constant 0 : i32
    %dma_wait3A_336 = tpu.memref_slice %arg2[%dma_wait3A_335] : memref<131072xi32, #tpu.memory_space<hbm>> -> memref<1024xi32, #tpu.memory_space<hbm>>
    tpu.wait_dma2 semaphore(%arg16 : memref<!tpu.dma_semaphore, #tpu.memory_space<semaphore_mem>>) src(%dma_wait3A_336 : memref<1024xi32, #tpu.memory_space<hbm>>) dst(%dma_wait3A_334 : memref<1024xi32, #tpu.memory_space<vmem>>)
    %dma_start3A_337 = arith.constant 0 : i32
    %dma_start3A_338 = arith.constant 0 : i32
    %dma_start3A_339 = arith.constant 384 : i32
    %dma_start3A_340 = tpu.memref_slice %arg8[%dma_start3A_339] : memref<4096xf32, #tpu.memory_space<vmem>> -> memref<128xf32, #tpu.memory_space<vmem>>
    %dma_start3A_341 = arith.constant 3072 : i32
    %dma_start3A_342 = tpu.memref_slice %arg7[%dma_start3A_341] : memref<4096xi32, #tpu.memory_space<vmem>> -> memref<128xi32, #tpu.memory_space<vmem>>
    %dma_start3A_343 = arith.constant 0 : i32
    %dma_start3A_344 = tpu.memref_slice %arg4[%dma_start3A_337, %dma_start3A_338, %dma_start3A_343] : memref<8x1x1000000xf32, #tpu.memory_space<hbm>> -> memref<1x1x1000000xf32, #tpu.memory_space<hbm>>
    %dma_start3A_345 = tpu.memref_squeeze %dma_start3A_344 : memref<1x1x1000000xf32, #tpu.memory_space<hbm>> -> memref<1000000xf32, #tpu.memory_space<hbm>>
    %dma_start3A_346 = arith.constant 0 : i32
    %dma_start3A_347 = tpu.memref_slice %dma_start3A_345[%dma_start3A_346] : memref<1000000xf32, #tpu.memory_space<hbm>> -> memref<1000000xf32, #tpu.memory_space<hbm>>
    tpu.enqueue_indirect_dma source(%dma_start3A_347 : memref<1000000xf32, #tpu.memory_space<hbm>>) target(%dma_start3A_340 : memref<128xf32, #tpu.memory_space<vmem>>) offsets(%dma_start3A_342 : memref<128xi32, #tpu.memory_space<vmem>>) semaphore(%arg12 : memref<!tpu.dma_semaphore, #tpu.memory_space<semaphore_mem>>)
    %dma_start3A_348 = arith.constant 1 : i32
    %dma_start3A_349 = arith.constant 0 : i32
    %dma_start3A_350 = arith.constant 896 : i32
    %dma_start3A_351 = tpu.memref_slice %arg8[%dma_start3A_350] : memref<4096xf32, #tpu.memory_space<vmem>> -> memref<128xf32, #tpu.memory_space<vmem>>
    %dma_start3A_352 = arith.constant 3200 : i32
    %dma_start3A_353 = tpu.memref_slice %arg7[%dma_start3A_352] : memref<4096xi32, #tpu.memory_space<vmem>> -> memref<128xi32, #tpu.memory_space<vmem>>
    %dma_start3A_354 = arith.constant 0 : i32
    %dma_start3A_355 = tpu.memref_slice %arg4[%dma_start3A_348, %dma_start3A_349, %dma_start3A_354] : memref<8x1x1000000xf32, #tpu.memory_space<hbm>> -> memref<1x1x1000000xf32, #tpu.memory_space<hbm>>
    %dma_start3A_356 = tpu.memref_squeeze %dma_start3A_355 : memref<1x1x1000000xf32, #tpu.memory_space<hbm>> -> memref<1000000xf32, #tpu.memory_space<hbm>>
    %dma_start3A_357 = arith.constant 0 : i32
    %dma_start3A_358 = tpu.memref_slice %dma_start3A_356[%dma_start3A_357] : memref<1000000xf32, #tpu.memory_space<hbm>> -> memref<1000000xf32, #tpu.memory_space<hbm>>
    tpu.enqueue_indirect_dma source(%dma_start3A_358 : memref<1000000xf32, #tpu.memory_space<hbm>>) target(%dma_start3A_351 : memref<128xf32, #tpu.memory_space<vmem>>) offsets(%dma_start3A_353 : memref<128xi32, #tpu.memory_space<vmem>>) semaphore(%arg12 : memref<!tpu.dma_semaphore, #tpu.memory_space<semaphore_mem>>)
    %dma_start3A_359 = arith.constant 2 : i32
    %dma_start3A_360 = arith.constant 0 : i32
    %dma_start3A_361 = arith.constant 1408 : i32
    %dma_start3A_362 = tpu.memref_slice %arg8[%dma_start3A_361] : memref<4096xf32, #tpu.memory_space<vmem>> -> memref<128xf32, #tpu.memory_space<vmem>>
    %dma_start3A_363 = arith.constant 3328 : i32
    %dma_start3A_364 = tpu.memref_slice %arg7[%dma_start3A_363] : memref<4096xi32, #tpu.memory_space<vmem>> -> memref<128xi32, #tpu.memory_space<vmem>>
    %dma_start3A_365 = arith.constant 0 : i32
    %dma_start3A_366 = tpu.memref_slice %arg4[%dma_start3A_359, %dma_start3A_360, %dma_start3A_365] : memref<8x1x1000000xf32, #tpu.memory_space<hbm>> -> memref<1x1x1000000xf32, #tpu.memory_space<hbm>>
    %dma_start3A_367 = tpu.memref_squeeze %dma_start3A_366 : memref<1x1x1000000xf32, #tpu.memory_space<hbm>> -> memref<1000000xf32, #tpu.memory_space<hbm>>
    %dma_start3A_368 = arith.constant 0 : i32
    %dma_start3A_369 = tpu.memref_slice %dma_start3A_367[%dma_start3A_368] : memref<1000000xf32, #tpu.memory_space<hbm>> -> memref<1000000xf32, #tpu.memory_space<hbm>>
    tpu.enqueue_indirect_dma source(%dma_start3A_369 : memref<1000000xf32, #tpu.memory_space<hbm>>) target(%dma_start3A_362 : memref<128xf32, #tpu.memory_space<vmem>>) offsets(%dma_start3A_364 : memref<128xi32, #tpu.memory_space<vmem>>) semaphore(%arg12 : memref<!tpu.dma_semaphore, #tpu.memory_space<semaphore_mem>>)
    %dma_start3A_370 = arith.constant 3 : i32
    %dma_start3A_371 = arith.constant 0 : i32
    %dma_start3A_372 = arith.constant 1920 : i32
    %dma_start3A_373 = tpu.memref_slice %arg8[%dma_start3A_372] : memref<4096xf32, #tpu.memory_space<vmem>> -> memref<128xf32, #tpu.memory_space<vmem>>
    %dma_start3A_374 = arith.constant 3456 : i32
    %dma_start3A_375 = tpu.memref_slice %arg7[%dma_start3A_374] : memref<4096xi32, #tpu.memory_space<vmem>> -> memref<128xi32, #tpu.memory_space<vmem>>
    %dma_start3A_376 = arith.constant 0 : i32
    %dma_start3A_377 = tpu.memref_slice %arg4[%dma_start3A_370, %dma_start3A_371, %dma_start3A_376] : memref<8x1x1000000xf32, #tpu.memory_space<hbm>> -> memref<1x1x1000000xf32, #tpu.memory_space<hbm>>
    %dma_start3A_378 = tpu.memref_squeeze %dma_start3A_377 : memref<1x1x1000000xf32, #tpu.memory_space<hbm>> -> memref<1000000xf32, #tpu.memory_space<hbm>>
    %dma_start3A_379 = arith.constant 0 : i32
    %dma_start3A_380 = tpu.memref_slice %dma_start3A_378[%dma_start3A_379] : memref<1000000xf32, #tpu.memory_space<hbm>> -> memref<1000000xf32, #tpu.memory_space<hbm>>
    tpu.enqueue_indirect_dma source(%dma_start3A_380 : memref<1000000xf32, #tpu.memory_space<hbm>>) target(%dma_start3A_373 : memref<128xf32, #tpu.memory_space<vmem>>) offsets(%dma_start3A_375 : memref<128xi32, #tpu.memory_space<vmem>>) semaphore(%arg12 : memref<!tpu.dma_semaphore, #tpu.memory_space<semaphore_mem>>)
    %dma_start3A_381 = arith.constant 4 : i32
    %dma_start3A_382 = arith.constant 0 : i32
    %dma_start3A_383 = arith.constant 2432 : i32
    %dma_start3A_384 = tpu.memref_slice %arg8[%dma_start3A_383] : memref<4096xf32, #tpu.memory_space<vmem>> -> memref<128xf32, #tpu.memory_space<vmem>>
    %dma_start3A_385 = arith.constant 3584 : i32
    %dma_start3A_386 = tpu.memref_slice %arg7[%dma_start3A_385] : memref<4096xi32, #tpu.memory_space<vmem>> -> memref<128xi32, #tpu.memory_space<vmem>>
    %dma_start3A_387 = arith.constant 0 : i32
    %dma_start3A_388 = tpu.memref_slice %arg4[%dma_start3A_381, %dma_start3A_382, %dma_start3A_387] : memref<8x1x1000000xf32, #tpu.memory_space<hbm>> -> memref<1x1x1000000xf32, #tpu.memory_space<hbm>>
    %dma_start3A_389 = tpu.memref_squeeze %dma_start3A_388 : memref<1x1x1000000xf32, #tpu.memory_space<hbm>> -> memref<1000000xf32, #tpu.memory_space<hbm>>
    %dma_start3A_390 = arith.constant 0 : i32
    %dma_start3A_391 = tpu.memref_slice %dma_start3A_389[%dma_start3A_390] : memref<1000000xf32, #tpu.memory_space<hbm>> -> memref<1000000xf32, #tpu.memory_space<hbm>>
    tpu.enqueue_indirect_dma source(%dma_start3A_391 : memref<1000000xf32, #tpu.memory_space<hbm>>) target(%dma_start3A_384 : memref<128xf32, #tpu.memory_space<vmem>>) offsets(%dma_start3A_386 : memref<128xi32, #tpu.memory_space<vmem>>) semaphore(%arg12 : memref<!tpu.dma_semaphore, #tpu.memory_space<semaphore_mem>>)
    %dma_start3A_392 = arith.constant 5 : i32
    %dma_start3A_393 = arith.constant 0 : i32
    %dma_start3A_394 = arith.constant 2944 : i32
    %dma_start3A_395 = tpu.memref_slice %arg8[%dma_start3A_394] : memref<4096xf32, #tpu.memory_space<vmem>> -> memref<128xf32, #tpu.memory_space<vmem>>
    %dma_start3A_396 = arith.constant 3712 : i32
    %dma_start3A_397 = tpu.memref_slice %arg7[%dma_start3A_396] : memref<4096xi32, #tpu.memory_space<vmem>> -> memref<128xi32, #tpu.memory_space<vmem>>
    %dma_start3A_398 = arith.constant 0 : i32
    %dma_start3A_399 = tpu.memref_slice %arg4[%dma_start3A_392, %dma_start3A_393, %dma_start3A_398] : memref<8x1x1000000xf32, #tpu.memory_space<hbm>> -> memref<1x1x1000000xf32, #tpu.memory_space<hbm>>
    %dma_start3A_400 = tpu.memref_squeeze %dma_start3A_399 : memref<1x1x1000000xf32, #tpu.memory_space<hbm>> -> memref<1000000xf32, #tpu.memory_space<hbm>>
    %dma_start3A_401 = arith.constant 0 : i32
    %dma_start3A_402 = tpu.memref_slice %dma_start3A_400[%dma_start3A_401] : memref<1000000xf32, #tpu.memory_space<hbm>> -> memref<1000000xf32, #tpu.memory_space<hbm>>
    tpu.enqueue_indirect_dma source(%dma_start3A_402 : memref<1000000xf32, #tpu.memory_space<hbm>>) target(%dma_start3A_395 : memref<128xf32, #tpu.memory_space<vmem>>) offsets(%dma_start3A_397 : memref<128xi32, #tpu.memory_space<vmem>>) semaphore(%arg12 : memref<!tpu.dma_semaphore, #tpu.memory_space<semaphore_mem>>)
    %dma_start3A_403 = arith.constant 6 : i32
    %dma_start3A_404 = arith.constant 0 : i32
    %dma_start3A_405 = arith.constant 3456 : i32
    %dma_start3A_406 = tpu.memref_slice %arg8[%dma_start3A_405] : memref<4096xf32, #tpu.memory_space<vmem>> -> memref<128xf32, #tpu.memory_space<vmem>>
    %dma_start3A_407 = arith.constant 3840 : i32
    %dma_start3A_408 = tpu.memref_slice %arg7[%dma_start3A_407] : memref<4096xi32, #tpu.memory_space<vmem>> -> memref<128xi32, #tpu.memory_space<vmem>>
    %dma_start3A_409 = arith.constant 0 : i32
    %dma_start3A_410 = tpu.memref_slice %arg4[%dma_start3A_403, %dma_start3A_404, %dma_start3A_409] : memref<8x1x1000000xf32, #tpu.memory_space<hbm>> -> memref<1x1x1000000xf32, #tpu.memory_space<hbm>>
    %dma_start3A_411 = tpu.memref_squeeze %dma_start3A_410 : memref<1x1x1000000xf32, #tpu.memory_space<hbm>> -> memref<1000000xf32, #tpu.memory_space<hbm>>
    %dma_start3A_412 = arith.constant 0 : i32
    %dma_start3A_413 = tpu.memref_slice %dma_start3A_411[%dma_start3A_412] : memref<1000000xf32, #tpu.memory_space<hbm>> -> memref<1000000xf32, #tpu.memory_space<hbm>>
    tpu.enqueue_indirect_dma source(%dma_start3A_413 : memref<1000000xf32, #tpu.memory_space<hbm>>) target(%dma_start3A_406 : memref<128xf32, #tpu.memory_space<vmem>>) offsets(%dma_start3A_408 : memref<128xi32, #tpu.memory_space<vmem>>) semaphore(%arg12 : memref<!tpu.dma_semaphore, #tpu.memory_space<semaphore_mem>>)
    %dma_start3A_414 = arith.constant 7 : i32
    %dma_start3A_415 = arith.constant 0 : i32
    %dma_start3A_416 = arith.constant 3968 : i32
    %dma_start3A_417 = tpu.memref_slice %arg8[%dma_start3A_416] : memref<4096xf32, #tpu.memory_space<vmem>> -> memref<128xf32, #tpu.memory_space<vmem>>
    %dma_start3A_418 = arith.constant 3968 : i32
    %dma_start3A_419 = tpu.memref_slice %arg7[%dma_start3A_418] : memref<4096xi32, #tpu.memory_space<vmem>> -> memref<128xi32, #tpu.memory_space<vmem>>
    %dma_start3A_420 = arith.constant 0 : i32
    %dma_start3A_421 = tpu.memref_slice %arg4[%dma_start3A_414, %dma_start3A_415, %dma_start3A_420] : memref<8x1x1000000xf32, #tpu.memory_space<hbm>> -> memref<1x1x1000000xf32, #tpu.memory_space<hbm>>
    %dma_start3A_422 = tpu.memref_squeeze %dma_start3A_421 : memref<1x1x1000000xf32, #tpu.memory_space<hbm>> -> memref<1000000xf32, #tpu.memory_space<hbm>>
    %dma_start3A_423 = arith.constant 0 : i32
    %dma_start3A_424 = tpu.memref_slice %dma_start3A_422[%dma_start3A_423] : memref<1000000xf32, #tpu.memory_space<hbm>> -> memref<1000000xf32, #tpu.memory_space<hbm>>
    tpu.enqueue_indirect_dma source(%dma_start3A_424 : memref<1000000xf32, #tpu.memory_space<hbm>>) target(%dma_start3A_417 : memref<128xf32, #tpu.memory_space<vmem>>) offsets(%dma_start3A_419 : memref<128xi32, #tpu.memory_space<vmem>>) semaphore(%arg12 : memref<!tpu.dma_semaphore, #tpu.memory_space<semaphore_mem>>)
    %add3A_425 = arith.constant 0 : i32
    %add3A_426 = arith.addi %add3A_425, %mul3A_2 : i32
    "tpu.region"() ({
      %run_scoped3A = tpu.sem_alloc : memref<!tpu.dma_semaphore, #tpu.memory_space<semaphore_mem>>
      %dma_start3A_446 = arith.constant 0 : i32
      %dma_start3A_447 = tpu.memref_slice %arg9[%dma_start3A_446] : memref<2560xf32, #tpu.memory_space<vmem>> -> memref<512xf32, #tpu.memory_space<vmem>>
      %dma_start3A_448 = tpu.memref_slice %arg3[%add3A_426] : memref<81920xf32, #tpu.memory_space<hbm>> -> memref<512xf32, #tpu.memory_space<hbm>>
      %dma_start3A_449 = arith.constant 0 : i32
      %dma_start3A_450 = tpu.memref_slice %arg9[%dma_start3A_449] : memref<2560xf32, #tpu.memory_space<vmem>> -> memref<512xf32, #tpu.memory_space<vmem>>
      %dma_start3A_451 = tpu.memref_slice %arg3[%add3A_426] : memref<81920xf32, #tpu.memory_space<hbm>> -> memref<512xf32, #tpu.memory_space<hbm>>
      tpu.enqueue_dma source(%dma_start3A_451 : memref<512xf32, #tpu.memory_space<hbm>>) target(%dma_start3A_450 : memref<512xf32, #tpu.memory_space<vmem>>) target_semaphore(%run_scoped3A : memref<!tpu.dma_semaphore, #tpu.memory_space<semaphore_mem>>)
      %dma_wait3A_452 = arith.constant 0 : i32
      %dma_wait3A_453 = tpu.memref_slice %arg9[%dma_wait3A_452] : memref<2560xf32, #tpu.memory_space<vmem>> -> memref<512xf32, #tpu.memory_space<vmem>>
      %dma_wait3A_454 = tpu.memref_slice %arg3[%add3A_426] : memref<81920xf32, #tpu.memory_space<hbm>> -> memref<512xf32, #tpu.memory_space<hbm>>
      %dma_wait3A_455 = arith.constant 0 : i32
      %dma_wait3A_456 = tpu.memref_slice %arg9[%dma_wait3A_455] : memref<2560xf32, #tpu.memory_space<vmem>> -> memref<512xf32, #tpu.memory_space<vmem>>
      %dma_wait3A_457 = tpu.memref_slice %arg3[%add3A_426] : memref<81920xf32, #tpu.memory_space<hbm>> -> memref<512xf32, #tpu.memory_space<hbm>>
      tpu.wait_dma2 semaphore(%run_scoped3A : memref<!tpu.dma_semaphore, #tpu.memory_space<semaphore_mem>>) src(%dma_wait3A_457 : memref<512xf32, #tpu.memory_space<hbm>>) dst(%dma_wait3A_456 : memref<512xf32, #tpu.memory_space<vmem>>)
      tpu.yield
    }) : () -> ()
    %add3A_427 = arith.constant 16384 : i32
    %add3A_428 = arith.addi %add3A_427, %mul3A_2 : i32
    "tpu.region"() ({
      %run_scoped3A = tpu.sem_alloc : memref<!tpu.dma_semaphore, #tpu.memory_space<semaphore_mem>>
      %dma_start3A_446 = arith.constant 512 : i32
      %dma_start3A_447 = tpu.memref_slice %arg9[%dma_start3A_446] : memref<2560xf32, #tpu.memory_space<vmem>> -> memref<512xf32, #tpu.memory_space<vmem>>
      %dma_start3A_448 = tpu.memref_slice %arg3[%add3A_428] : memref<81920xf32, #tpu.memory_space<hbm>> -> memref<512xf32, #tpu.memory_space<hbm>>
      %dma_start3A_449 = arith.constant 512 : i32
      %dma_start3A_450 = tpu.memref_slice %arg9[%dma_start3A_449] : memref<2560xf32, #tpu.memory_space<vmem>> -> memref<512xf32, #tpu.memory_space<vmem>>
      %dma_start3A_451 = tpu.memref_slice %arg3[%add3A_428] : memref<81920xf32, #tpu.memory_space<hbm>> -> memref<512xf32, #tpu.memory_space<hbm>>
      tpu.enqueue_dma source(%dma_start3A_451 : memref<512xf32, #tpu.memory_space<hbm>>) target(%dma_start3A_450 : memref<512xf32, #tpu.memory_space<vmem>>) target_semaphore(%run_scoped3A : memref<!tpu.dma_semaphore, #tpu.memory_space<semaphore_mem>>)
      %dma_wait3A_452 = arith.constant 512 : i32
      %dma_wait3A_453 = tpu.memref_slice %arg9[%dma_wait3A_452] : memref<2560xf32, #tpu.memory_space<vmem>> -> memref<512xf32, #tpu.memory_space<vmem>>
      %dma_wait3A_454 = tpu.memref_slice %arg3[%add3A_428] : memref<81920xf32, #tpu.memory_space<hbm>> -> memref<512xf32, #tpu.memory_space<hbm>>
      %dma_wait3A_455 = arith.constant 512 : i32
      %dma_wait3A_456 = tpu.memref_slice %arg9[%dma_wait3A_455] : memref<2560xf32, #tpu.memory_space<vmem>> -> memref<512xf32, #tpu.memory_space<vmem>>
      %dma_wait3A_457 = tpu.memref_slice %arg3[%add3A_428] : memref<81920xf32, #tpu.memory_space<hbm>> -> memref<512xf32, #tpu.memory_space<hbm>>
      tpu.wait_dma2 semaphore(%run_scoped3A : memref<!tpu.dma_semaphore, #tpu.memory_space<semaphore_mem>>) src(%dma_wait3A_457 : memref<512xf32, #tpu.memory_space<hbm>>) dst(%dma_wait3A_456 : memref<512xf32, #tpu.memory_space<vmem>>)
      tpu.yield
    }) : () -> ()
    %add3A_429 = arith.constant 32768 : i32
    %add3A_430 = arith.addi %add3A_429, %mul3A_2 : i32
    "tpu.region"() ({
      %run_scoped3A = tpu.sem_alloc : memref<!tpu.dma_semaphore, #tpu.memory_space<semaphore_mem>>
      %dma_start3A_446 = arith.constant 1024 : i32
      %dma_start3A_447 = tpu.memref_slice %arg9[%dma_start3A_446] : memref<2560xf32, #tpu.memory_space<vmem>> -> memref<512xf32, #tpu.memory_space<vmem>>
      %dma_start3A_448 = tpu.memref_slice %arg3[%add3A_430] : memref<81920xf32, #tpu.memory_space<hbm>> -> memref<512xf32, #tpu.memory_space<hbm>>
      %dma_start3A_449 = arith.constant 1024 : i32
      %dma_start3A_450 = tpu.memref_slice %arg9[%dma_start3A_449] : memref<2560xf32, #tpu.memory_space<vmem>> -> memref<512xf32, #tpu.memory_space<vmem>>
      %dma_start3A_451 = tpu.memref_slice %arg3[%add3A_430] : memref<81920xf32, #tpu.memory_space<hbm>> -> memref<512xf32, #tpu.memory_space<hbm>>
      tpu.enqueue_dma source(%dma_start3A_451 : memref<512xf32, #tpu.memory_space<hbm>>) target(%dma_start3A_450 : memref<512xf32, #tpu.memory_space<vmem>>) target_semaphore(%run_scoped3A : memref<!tpu.dma_semaphore, #tpu.memory_space<semaphore_mem>>)
      %dma_wait3A_452 = arith.constant 1024 : i32
      %dma_wait3A_453 = tpu.memref_slice %arg9[%dma_wait3A_452] : memref<2560xf32, #tpu.memory_space<vmem>> -> memref<512xf32, #tpu.memory_space<vmem>>
      %dma_wait3A_454 = tpu.memref_slice %arg3[%add3A_430] : memref<81920xf32, #tpu.memory_space<hbm>> -> memref<512xf32, #tpu.memory_space<hbm>>
      %dma_wait3A_455 = arith.constant 1024 : i32
      %dma_wait3A_456 = tpu.memref_slice %arg9[%dma_wait3A_455] : memref<2560xf32, #tpu.memory_space<vmem>> -> memref<512xf32, #tpu.memory_space<vmem>>
      %dma_wait3A_457 = tpu.memref_slice %arg3[%add3A_430] : memref<81920xf32, #tpu.memory_space<hbm>> -> memref<512xf32, #tpu.memory_space<hbm>>
      tpu.wait_dma2 semaphore(%run_scoped3A : memref<!tpu.dma_semaphore, #tpu.memory_space<semaphore_mem>>) src(%dma_wait3A_457 : memref<512xf32, #tpu.memory_space<hbm>>) dst(%dma_wait3A_456 : memref<512xf32, #tpu.memory_space<vmem>>)
      tpu.yield
    }) : () -> ()
    %add3A_431 = arith.constant 49152 : i32
    %add3A_432 = arith.addi %add3A_431, %mul3A_2 : i32
    "tpu.region"() ({
      %run_scoped3A = tpu.sem_alloc : memref<!tpu.dma_semaphore, #tpu.memory_space<semaphore_mem>>
      %dma_start3A_446 = arith.constant 1536 : i32
      %dma_start3A_447 = tpu.memref_slice %arg9[%dma_start3A_446] : memref<2560xf32, #tpu.memory_space<vmem>> -> memref<512xf32, #tpu.memory_space<vmem>>
      %dma_start3A_448 = tpu.memref_slice %arg3[%add3A_432] : memref<81920xf32, #tpu.memory_space<hbm>> -> memref<512xf32, #tpu.memory_space<hbm>>
      %dma_start3A_449 = arith.constant 1536 : i32
      %dma_start3A_450 = tpu.memref_slice %arg9[%dma_start3A_449] : memref<2560xf32, #tpu.memory_space<vmem>> -> memref<512xf32, #tpu.memory_space<vmem>>
      %dma_start3A_451 = tpu.memref_slice %arg3[%add3A_432] : memref<81920xf32, #tpu.memory_space<hbm>> -> memref<512xf32, #tpu.memory_space<hbm>>
      tpu.enqueue_dma source(%dma_start3A_451 : memref<512xf32, #tpu.memory_space<hbm>>) target(%dma_start3A_450 : memref<512xf32, #tpu.memory_space<vmem>>) target_semaphore(%run_scoped3A : memref<!tpu.dma_semaphore, #tpu.memory_space<semaphore_mem>>)
      %dma_wait3A_452 = arith.constant 1536 : i32
      %dma_wait3A_453 = tpu.memref_slice %arg9[%dma_wait3A_452] : memref<2560xf32, #tpu.memory_space<vmem>> -> memref<512xf32, #tpu.memory_space<vmem>>
      %dma_wait3A_454 = tpu.memref_slice %arg3[%add3A_432] : memref<81920xf32, #tpu.memory_space<hbm>> -> memref<512xf32, #tpu.memory_space<hbm>>
      %dma_wait3A_455 = arith.constant 1536 : i32
      %dma_wait3A_456 = tpu.memref_slice %arg9[%dma_wait3A_455] : memref<2560xf32, #tpu.memory_space<vmem>> -> memref<512xf32, #tpu.memory_space<vmem>>
      %dma_wait3A_457 = tpu.memref_slice %arg3[%add3A_432] : memref<81920xf32, #tpu.memory_space<hbm>> -> memref<512xf32, #tpu.memory_space<hbm>>
      tpu.wait_dma2 semaphore(%run_scoped3A : memref<!tpu.dma_semaphore, #tpu.memory_space<semaphore_mem>>) src(%dma_wait3A_457 : memref<512xf32, #tpu.memory_space<hbm>>) dst(%dma_wait3A_456 : memref<512xf32, #tpu.memory_space<vmem>>)
      tpu.yield
    }) : () -> ()
    %add3A_433 = arith.constant 65536 : i32
    %add3A_434 = arith.addi %add3A_433, %mul3A_2 : i32
    "tpu.region"() ({
      %run_scoped3A = tpu.sem_alloc : memref<!tpu.dma_semaphore, #tpu.memory_space<semaphore_mem>>
      %dma_start3A_446 = arith.constant 2048 : i32
      %dma_start3A_447 = tpu.memref_slice %arg9[%dma_start3A_446] : memref<2560xf32, #tpu.memory_space<vmem>> -> memref<512xf32, #tpu.memory_space<vmem>>
      %dma_start3A_448 = tpu.memref_slice %arg3[%add3A_434] : memref<81920xf32, #tpu.memory_space<hbm>> -> memref<512xf32, #tpu.memory_space<hbm>>
      %dma_start3A_449 = arith.constant 2048 : i32
      %dma_start3A_450 = tpu.memref_slice %arg9[%dma_start3A_449] : memref<2560xf32, #tpu.memory_space<vmem>> -> memref<512xf32, #tpu.memory_space<vmem>>
      %dma_start3A_451 = tpu.memref_slice %arg3[%add3A_434] : memref<81920xf32, #tpu.memory_space<hbm>> -> memref<512xf32, #tpu.memory_space<hbm>>
      tpu.enqueue_dma source(%dma_start3A_451 : memref<512xf32, #tpu.memory_space<hbm>>) target(%dma_start3A_450 : memref<512xf32, #tpu.memory_space<vmem>>) target_semaphore(%run_scoped3A : memref<!tpu.dma_semaphore, #tpu.memory_space<semaphore_mem>>)
      %dma_wait3A_452 = arith.constant 2048 : i32
      %dma_wait3A_453 = tpu.memref_slice %arg9[%dma_wait3A_452] : memref<2560xf32, #tpu.memory_space<vmem>> -> memref<512xf32, #tpu.memory_space<vmem>>
      %dma_wait3A_454 = tpu.memref_slice %arg3[%add3A_434] : memref<81920xf32, #tpu.memory_space<hbm>> -> memref<512xf32, #tpu.memory_space<hbm>>
      %dma_wait3A_455 = arith.constant 2048 : i32
      %dma_wait3A_456 = tpu.memref_slice %arg9[%dma_wait3A_455] : memref<2560xf32, #tpu.memory_space<vmem>> -> memref<512xf32, #tpu.memory_space<vmem>>
      %dma_wait3A_457 = tpu.memref_slice %arg3[%add3A_434] : memref<81920xf32, #tpu.memory_space<hbm>> -> memref<512xf32, #tpu.memory_space<hbm>>
      tpu.wait_dma2 semaphore(%run_scoped3A : memref<!tpu.dma_semaphore, #tpu.memory_space<semaphore_mem>>) src(%dma_wait3A_457 : memref<512xf32, #tpu.memory_space<hbm>>) dst(%dma_wait3A_456 : memref<512xf32, #tpu.memory_space<vmem>>)
      tpu.yield
    }) : () -> ()
    "tpu.region"() ({
      %run_scoped3A = tpu.sem_alloc : memref<!tpu.dma_semaphore, #tpu.memory_space<semaphore_mem>>
      tpu.enqueue_dma source(%arg5 : memref<16xf32, #tpu.memory_space<hbm>>) target(%arg10 : memref<16xf32, #tpu.memory_space<vmem>>) target_semaphore(%run_scoped3A : memref<!tpu.dma_semaphore, #tpu.memory_space<semaphore_mem>>)
      tpu.wait_dma2 semaphore(%run_scoped3A : memref<!tpu.dma_semaphore, #tpu.memory_space<semaphore_mem>>) src(%arg5 : memref<16xf32, #tpu.memory_space<hbm>>) dst(%arg10 : memref<16xf32, #tpu.memory_space<vmem>>)
      tpu.yield
    }) : () -> ()
    %get3A = arith.constant 0 : index
    %get3A_435 = tpu.vector_load %arg10[%get3A] {strides = array<i32>} : memref<16xf32, #tpu.memory_space<vmem>>, vector<16xf32>,
    %dma_wait3A_436 = arith.constant 0 : i32
    %dma_wait3A_437 = arith.constant 0 : i32
    %dma_wait3A_438 = arith.constant 0 : i32
    %dma_wait3A_439 = tpu.memref_slice %arg4[%dma_wait3A_436, %dma_wait3A_437, %dma_wait3A_438] : memref<8x1x1000000xf32, #tpu.memory_space<hbm>> -> memref<1x1x4096xf32, #tpu.memory_space<hbm>>
    %dma_wait3A_440 = tpu.memref_squeeze %dma_wait3A_439 : memref<1x1x4096xf32, #tpu.memory_space<hbm>> -> memref<4096xf32, #tpu.memory_space<hbm>>
    %dma_wait3A_441 = arith.constant 0 : i32
    %dma_wait3A_442 = tpu.memref_slice %arg4[%dma_wait3A_436, %dma_wait3A_437, %dma_wait3A_441] : memref<8x1x1000000xf32, #tpu.memory_space<hbm>> -> memref<1x1x4096xf32, #tpu.memory_space<hbm>>
    %dma_wait3A_443 = tpu.memref_squeeze %dma_wait3A_442 : memref<1x1x4096xf32, #tpu.memory_space<hbm>> -> memref<4096xf32, #tpu.memory_space<hbm>>
    tpu.wait_dma2 semaphore(%arg12 : memref<!tpu.dma_semaphore, #tpu.memory_space<semaphore_mem>>) src(%dma_wait3A_443 : memref<4096xf32, #tpu.memory_space<hbm>>) dst(%arg8 : memref<4096xf32, #tpu.memory_space<vmem>>)
    %parallel_loop3A = arith.constant 0 : i32
    %parallel_loop3A_444 = arith.constant 512 : i32
    %parallel_loop3A_445 = arith.constant 16 : i32
    scf.for %parallel_loop3A_446 = %parallel_loop3A to %parallel_loop3A_444 step %parallel_loop3A_445  : i32 {
      %parallel_loop3A_447 = arith.constant 0 : i32
      %parallel_loop3A_448 = arith.addi %parallel_loop3A_447, %parallel_loop3A_446 : i32
      %parallel_loop3A_449 = arith.index_cast %parallel_loop3A_448 : i32 to index
      %parallel_loop3A_450 = tpu.vector_load %arg8[%parallel_loop3A_449] {strides = array<i32>} : memref<4096xf32, #tpu.memory_space<vmem>>, vector<16xf32>,
      %parallel_loop3A_451 = arith.addf %get3A_435, %parallel_loop3A_450 : vector<16xf32>
      %parallel_loop3A_452 = arith.constant 512 : i32
      %parallel_loop3A_453 = arith.addi %parallel_loop3A_452, %parallel_loop3A_446 : i32
      %parallel_loop3A_454 = arith.index_cast %parallel_loop3A_453 : i32 to index
      %parallel_loop3A_455 = tpu.vector_load %arg8[%parallel_loop3A_454] {strides = array<i32>} : memref<4096xf32, #tpu.memory_space<vmem>>, vector<16xf32>,
      %parallel_loop3A_456 = arith.addf %parallel_loop3A_451, %parallel_loop3A_455 : vector<16xf32>
      %parallel_loop3A_457 = arith.constant 1024 : i32
      %parallel_loop3A_458 = arith.addi %parallel_loop3A_457, %parallel_loop3A_446 : i32
      %parallel_loop3A_459 = arith.index_cast %parallel_loop3A_458 : i32 to index
      %parallel_loop3A_460 = tpu.vector_load %arg8[%parallel_loop3A_459] {strides = array<i32>} : memref<4096xf32, #tpu.memory_space<vmem>>, vector<16xf32>,
      %parallel_loop3A_461 = arith.addf %parallel_loop3A_456, %parallel_loop3A_460 : vector<16xf32>
      %parallel_loop3A_462 = arith.constant 1536 : i32
      %parallel_loop3A_463 = arith.addi %parallel_loop3A_462, %parallel_loop3A_446 : i32
      %parallel_loop3A_464 = arith.index_cast %parallel_loop3A_463 : i32 to index
      %parallel_loop3A_465 = tpu.vector_load %arg8[%parallel_loop3A_464] {strides = array<i32>} : memref<4096xf32, #tpu.memory_space<vmem>>, vector<16xf32>,
      %parallel_loop3A_466 = arith.addf %parallel_loop3A_461, %parallel_loop3A_465 : vector<16xf32>
      %parallel_loop3A_467 = arith.constant 2048 : i32
      %parallel_loop3A_468 = arith.addi %parallel_loop3A_467, %parallel_loop3A_446 : i32
      %parallel_loop3A_469 = arith.index_cast %parallel_loop3A_468 : i32 to index
      %parallel_loop3A_470 = tpu.vector_load %arg8[%parallel_loop3A_469] {strides = array<i32>} : memref<4096xf32, #tpu.memory_space<vmem>>, vector<16xf32>,
      %parallel_loop3A_471 = arith.addf %parallel_loop3A_466, %parallel_loop3A_470 : vector<16xf32>
      %parallel_loop3A_472 = arith.constant 2560 : i32
      %parallel_loop3A_473 = arith.addi %parallel_loop3A_472, %parallel_loop3A_446 : i32
      %parallel_loop3A_474 = arith.index_cast %parallel_loop3A_473 : i32 to index
      %parallel_loop3A_475 = tpu.vector_load %arg8[%parallel_loop3A_474] {strides = array<i32>} : memref<4096xf32, #tpu.memory_space<vmem>>, vector<16xf32>,
      %parallel_loop3A_476 = arith.addf %parallel_loop3A_471, %parallel_loop3A_475 : vector<16xf32>
      %parallel_loop3A_477 = arith.constant 3072 : i32
      %parallel_loop3A_478 = arith.addi %parallel_loop3A_477, %parallel_loop3A_446 : i32
      %parallel_loop3A_479 = arith.index_cast %parallel_loop3A_478 : i32 to index
      %parallel_loop3A_480 = tpu.vector_load %arg8[%parallel_loop3A_479] {strides = array<i32>} : memref<4096xf32, #tpu.memory_space<vmem>>, vector<16xf32>,
      %parallel_loop3A_481 = arith.addf %parallel_loop3A_476, %parallel_loop3A_480 : vector<16xf32>
      %parallel_loop3A_482 = arith.constant 3584 : i32
      %parallel_loop3A_483 = arith.addi %parallel_loop3A_482, %parallel_loop3A_446 : i32
      %parallel_loop3A_484 = arith.index_cast %parallel_loop3A_483 : i32 to index
      %parallel_loop3A_485 = tpu.vector_load %arg8[%parallel_loop3A_484] {strides = array<i32>} : memref<4096xf32, #tpu.memory_space<vmem>>, vector<16xf32>,
      %parallel_loop3A_486 = arith.addf %parallel_loop3A_481, %parallel_loop3A_485 : vector<16xf32>
      %parallel_loop3A_487 = arith.index_cast %parallel_loop3A_446 : i32 to index
      %parallel_loop3A_488 = tpu.vector_load %arg9[%parallel_loop3A_487] {strides = array<i32>} : memref<2560xf32, #tpu.memory_space<vmem>>, vector<16xf32>,
      %parallel_loop3A_489 = arith.constant 512 : i32
      %parallel_loop3A_490 = arith.addi %parallel_loop3A_489, %parallel_loop3A_446 : i32
      %parallel_loop3A_491 = arith.index_cast %parallel_loop3A_490 : i32 to index
      %parallel_loop3A_492 = tpu.vector_load %arg9[%parallel_loop3A_491] {strides = array<i32>} : memref<2560xf32, #tpu.memory_space<vmem>>, vector<16xf32>,
      %parallel_loop3A_493 = arith.addf %parallel_loop3A_488, %parallel_loop3A_492 : vector<16xf32>
      %parallel_loop3A_494 = arith.constant 1024 : i32
      %parallel_loop3A_495 = arith.addi %parallel_loop3A_494, %parallel_loop3A_446 : i32
      %parallel_loop3A_496 = arith.index_cast %parallel_loop3A_495 : i32 to index
      %parallel_loop3A_497 = tpu.vector_load %arg9[%parallel_loop3A_496] {strides = array<i32>} : memref<2560xf32, #tpu.memory_space<vmem>>, vector<16xf32>,
      %parallel_loop3A_498 = arith.addf %parallel_loop3A_493, %parallel_loop3A_497 : vector<16xf32>
      %parallel_loop3A_499 = arith.constant 1536 : i32
      %parallel_loop3A_500 = arith.addi %parallel_loop3A_499, %parallel_loop3A_446 : i32
      %parallel_loop3A_501 = arith.index_cast %parallel_loop3A_500 : i32 to index
      %parallel_loop3A_502 = tpu.vector_load %arg9[%parallel_loop3A_501] {strides = array<i32>} : memref<2560xf32, #tpu.memory_space<vmem>>, vector<16xf32>,
      %parallel_loop3A_503 = arith.addf %parallel_loop3A_498, %parallel_loop3A_502 : vector<16xf32>
      %parallel_loop3A_504 = arith.constant 2048 : i32
      %parallel_loop3A_505 = arith.addi %parallel_loop3A_504, %parallel_loop3A_446 : i32
      %parallel_loop3A_506 = arith.index_cast %parallel_loop3A_505 : i32 to index
      %parallel_loop3A_507 = tpu.vector_load %arg9[%parallel_loop3A_506] {strides = array<i32>} : memref<2560xf32, #tpu.memory_space<vmem>>, vector<16xf32>,
      %parallel_loop3A_508 = arith.addf %parallel_loop3A_503, %parallel_loop3A_507 : vector<16xf32>
      %parallel_loop3A_509 = arith.constant 1.000000e-01 : f32
      %parallel_loop3A_510 = vector.broadcast %parallel_loop3A_509 : f32 to vector<16xf32>
      %parallel_loop3A_511 = arith.mulf %parallel_loop3A_508, %parallel_loop3A_510 : vector<16xf32>
      %parallel_loop3A_512 = arith.addf %parallel_loop3A_486, %parallel_loop3A_511 : vector<16xf32>
      %parallel_loop3A_513 = arith.index_cast %parallel_loop3A_446 : i32 to index
      %parallel_loop3A_514 = tpu.vector_load %arg11[%parallel_loop3A_513] {strides = array<i32>} : memref<512xf32, #tpu.memory_space<vmem>>, vector<16xf32>,
      tpu.vector_store %arg11[%parallel_loop3A_513], %parallel_loop3A_512 {strides = array<i32>} : memref<512xf32, #tpu.memory_space<vmem>>, vector<16xf32>,
    } {sc.loop_unroll_factor = 4 : i64, sc.parallel_access}
    "tpu.region"() ({
      %run_scoped3A = tpu.sem_alloc : memref<!tpu.dma_semaphore, #tpu.memory_space<semaphore_mem>>
      %dma_start3A_446 = tpu.memref_slice %arg6[%mul3A_2] : memref<16384xf32, #tpu.memory_space<hbm>> -> memref<512xf32, #tpu.memory_space<hbm>>
      %dma_start3A_447 = tpu.memref_slice %arg6[%mul3A_2] : memref<16384xf32, #tpu.memory_space<hbm>> -> memref<512xf32, #tpu.memory_space<hbm>>
      tpu.enqueue_dma source(%arg11 : memref<512xf32, #tpu.memory_space<vmem>>) target(%dma_start3A_447 : memref<512xf32, #tpu.memory_space<hbm>>) target_semaphore(%run_scoped3A : memref<!tpu.dma_semaphore, #tpu.memory_space<semaphore_mem>>)
      %dma_wait3A_448 = tpu.memref_slice %arg6[%mul3A_2] : memref<16384xf32, #tpu.memory_space<hbm>> -> memref<512xf32, #tpu.memory_space<hbm>>
      %dma_wait3A_449 = tpu.memref_slice %arg6[%mul3A_2] : memref<16384xf32, #tpu.memory_space<hbm>> -> memref<512xf32, #tpu.memory_space<hbm>>
      tpu.wait_dma2 semaphore(%run_scoped3A : memref<!tpu.dma_semaphore, #tpu.memory_space<semaphore_mem>>) src(%arg11 : memref<512xf32, #tpu.memory_space<vmem>>) dst(%dma_wait3A_449 : memref<512xf32, #tpu.memory_space<hbm>>)
      tpu.yield
    }) : () -> ()
    return
  }
}

</mosaic_0001>

<sc_bundles>
// kernel: kernel.3.cloned.1.call-start
scs
__scs_entry_jumppad:
0x0: {  	(pc) =	sbr.rel $0x88, $3  }
0x1: {  	(tag) =	ssettag $0x0;
	lr =	simm.s32 $0x1  }
0x2: {  	[smem:$0x3F9D] =	sst lr;
	_ =	strace $0xD0000000  }
0x3: {  	_ = 	snop  }
0x4: {  	_ = 	snop  }
0x5: {  	_ = 	snop  }
0x6: {  	_ = 	snop  }
0x7: {  	_ = 	snop  }
__scs_overlays_trampoline_lowered:
0x8: {  	[smem:$0x3FAC] =	sst s0  }
0x9: {  	[smem:$0x3FAD] =	sst s1  }
0xa: {  	[smem:$0x3FAE] =	sst s2  }
0xb: {  	[smem:$0x3FAF] =	sst s3  }
0xc: {  	[smem:$0x3FB0] =	sst s4  }
0xd: {  	[smem:$0x3FB1] =	sst s5  }
0xe: {  	[smem:$0x3FB2] =	sst s6  }
0xf: {  	[smem:$0x3FB3] =	sst s7  }
0x10: {  	[smem:$0x3FB4] =	sst s8  }
0x11: {  	[smem:$0x3FB5] =	sst s9;
	s0 =	simm.s32 @!p0 $0x0  }
0x12: {  	s1 =	sld [smem:$0x3F9B];
	s0 =	simm.s32 @p0 $0x1  }
0x13: {  	[smem:$0x3FB6] =	sst s0;
	s0 =	simm.s32 @!p1 $0x0  }
0x14: {  	s2 =	sld [smem:$0x3F9A];
	s0 =	simm.s32 @p1 $0x1  }
0x15: {  	[smem:$0x3FB7] =	sst s0;
	s0 =	simm.s32 @!p2 $0x0  }
0x16: {  	s3 =	sld [smem:$0x3FDB];
	s0 =	simm.s32 @p2 $0x1  }
0x17: {  	s4 =	simm.s32 $0x1BF5;
	[smem:$0x3FB9] =	sst s0  }
0x18: {  	s0 =	sld [smem:$0x3F9C];
	_ =	swait.ge [sflag:s4], $0x0  }
0x19: {  	s7 =	sld [smem:$0x3F9D]  }
0x1a: {  	s8 =	sadd.s32 $0xFFFFE003, lr  }
0x1b: {  	s9 =	sadd.s32 $0xFFFFFEF7, lr;
	s5 =	simm.s32 $0xFFFFFFFF;
	p2 =	slt.u32 s8, $0xFFFFF086  }
0x1c: {  	p1 =	slt.u32 s9, $0xF7A;
	s5 =	simm.s32 @!p2 $0x0  }
0x1d: {  	s5 =	simm.s32 @p1 $0x1;
	p0 =	seq.s32 s7, s2  }
0x1e: {  	s7 =	smul.u32 @!p0 $0xF7A, s2;
	p2 =	seq.s32 @!p0 s5, $0x0  }
0x1f: {  	s9 =	smul.u32 $0xF7A, s1;
	s8 =	simm.s32 @!p0 $0x1BF5;
	p2 =	por !p2, p0  }
0x20: {  	[sflag:s8] =	ssyncset.s32 @!p0 $0xFFFFF086;
	s6 =	sadd.s32 @!p0 s3, s7;
	s7 =	simm.s32 @!p0 $0x108  }
0x21: {  	s3 =	sadd.s32 s3, s9;
	s6 =	sadd.s32 @!p0 $0x88, s6;
	s7 =	simm.s32 @p2 $0x1082  }
0x22: {  	[simem:s7], [sflag:s8] =	dma.local @!p0 [hbm:s6], $0xF7A  }
0x23: {  	s9 =	sor.u32 $0xD0000000, s2;
	s6 =	simm.s32 $0x108;
	_ =	swait.ge @!p0 [sflag:s8], $0x0  }
0x24: {  	s3 =	sadd.s32 $0x88, s3;
	s6 =	simm.s32 @!p1 $0x1082;
	[sflag:s4] =	ssyncset.s32 $0xFFFFF086  }
0x25: {  	[simem:s6], [sflag:s4] =	dma.local [hbm:s3], $0xF7A  }
0x26: {  	[smem:$0x3F9D] =	sst s1;
	(tag) =	ssettag s2;
	_ =	strace s9  }
0x27: {  	s1 =	sld [smem:$0x3FAD]  }
0x28: {  	s2 =	sld [smem:$0x3FAE]  }
0x29: {  	s4 =	sld [smem:$0x3FB0]  }
0x2a: {  	p0 =	seq.s32 s5, $0x0;
	s5 =	sld [smem:$0x3FB1]  }
0x2b: {  	s6 =	sld [smem:$0x3FB2]  }
0x2c: {  	s7 =	sld [smem:$0x3FB3]  }
0x2d: {  	s3 =	simm.s32 $0x108;
	s8 =	sld [smem:$0x3FB4]  }
0x2e: {  	s3 =	simm.s32 @!p0 $0x1082;
	s9 =	sld [smem:$0x3FB5]  }
0x2f: {  	lr =	sadd.s32 s0, s3;
	s0 =	sld [smem:$0x3FAC]  }
0x30: {  	s3 =	sld [smem:$0x3FAF]  }
0x31: {  	[smem:$0x3FB8] =	sst s10  }
0x32: {  	s10 =	sld [smem:$0x3FB6];
	_ =	sdelay $0x3  }
0x33: {  	p0 =	seq.s32 s10, $0x1;
	s10 =	sld [smem:$0x3FB8];
	_ =	sdelay $0x3  }
0x34: {  	[smem:$0x3FB8] =	sst s10  }
0x35: {  	s10 =	sld [smem:$0x3FB7];
	_ =	sdelay $0x3  }
0x36: {  	p1 =	seq.s32 s10, $0x1;
	s10 =	sld [smem:$0x3FB8];
	_ =	sdelay $0x3  }
0x37: {  	[smem:$0x3FB8] =	sst s10  }
0x38: {  	s10 =	sld [smem:$0x3FB9]  }
0x39: {  	_ = 	snop;
	(pc) =	sbr.ind lr, $3  }
0x3a: {  	_ = 	snop  }
0x3b: {  	_ = 	snop  }
0x3c: {  	p2 =	seq.s32 s10, $0x1;
	s10 =	sld [smem:$0x3FB8]  }
0x3d: {  	_ =	shalt  }
0x3e: {  	_ =	shalt  }
0x3f: {  	_ =	shalt  }
0x40: {  	_ =	shalt  }
0x41: {  	_ =	shalt  }
0x42: {  	_ =	shalt  }
0x43: {  	_ =	shalt  }
0x44: {  	_ =	shalt  }
0x45: {  	_ =	shalt  }
0x46: {  	_ =	shalt  }
0x47: {  	_ =	shalt  }
0x48: {  	_ =	shalt  }
0x49: {  	_ =	shalt  }
0x4a: {  	_ =	shalt  }
0x4b: {  	_ =	shalt  }
0x4c: {  	_ =	shalt  }
0x4d: {  	_ =	shalt  }
0x4e: {  	_ =	shalt  }
0x4f: {  	_ =	shalt  }
0x50: {  	_ =	shalt  }
0x51: {  	_ =	shalt  }
0x52: {  	_ =	shalt  }
0x53: {  	_ =	shalt  }
0x54: {  	_ =	shalt  }
0x55: {  	_ =	shalt  }
0x56: {  	_ =	shalt  }
0x57: {  	_ =	shalt  }
0x58: {  	_ =	shalt  }
0x59: {  	_ =	shalt  }
0x5a: {  	_ =	shalt  }
0x5b: {  	_ =	shalt  }
0x5c: {  	_ =	shalt  }
0x5d: {  	_ =	shalt  }
0x5e: {  	_ =	shalt  }
0x5f: {  	_ =	shalt  }
0x60: {  	_ =	shalt  }
0x61: {  	_ =	shalt  }
0x62: {  	_ =	shalt  }
0x63: {  	_ =	shalt  }
0x64: {  	_ =	shalt  }
0x65: {  	_ =	shalt  }
0x66: {  	_ =	shalt  }
0x67: {  	_ =	shalt  }
0x68: {  	_ =	shalt  }
0x69: {  	_ =	shalt  }
0x6a: {  	_ =	shalt  }
0x6b: {  	_ =	shalt  }
0x6c: {  	_ =	shalt  }
0x6d: {  	_ =	shalt  }
0x6e: {  	_ =	shalt  }
0x6f: {  	_ =	shalt  }
0x70: {  	_ =	shalt  }
0x71: {  	_ =	shalt  }
0x72: {  	_ =	shalt  }
0x73: {  	_ =	shalt  }
0x74: {  	_ =	shalt  }
0x75: {  	_ =	shalt  }
0x76: {  	_ =	shalt  }
0x77: {  	_ =	shalt  }
0x78: {  	_ =	shalt  }
0x79: {  	_ =	shalt  }
0x7a: {  	_ =	shalt  }
0x7b: {  	_ =	shalt  }
0x7c: {  	_ =	shalt  }
0x7d: {  	_ =	shalt  }
0x7e: {  	_ =	shalt  }
0x7f: {  	_ =	shalt  }
0x80: {  	_ =	shalt  }
0x81: {  	_ =	shalt  }
0x82: {  	_ =	shalt  }
0x83: {  	_ =	shalt  }
0x84: {  	_ =	shalt  }
0x85: {  	_ =	shalt  }
0x86: {  	_ =	shalt  }
0x87: {  	_ =	shalt  }
.Lfunc_end0:
.L_simem_size_0:
called_computation_lowered:
.L_overlay_start_0:
0x88: {  	s2 =	sld [smem:$0x3FD9]  }
0x89: {  	s3 =	sld [smem:$0x3FFE];
	_ =	sdelay $0x1  }
0x8a: {  	s1 =	srdreg.scid  }
0x8b: {  	s0 =	sand.u32 $0x1, s1  }
0x8c: {  	s17 =	sshll.u32 s0, $0xA;
	s2 =	sadd.s32 s3, s2  }
0x8d: {  	s2 =	sadd.s32 s2, s17  }
0x8e: {  	[smem:$0x3FC4] =	sst s2  }
0x8f: {  	_ = 	snop  }
0x90: {  	s2 =	sld [smem:$0x3FC9]  }
0x91: {  	s18 =	sld [smem:$0x3FC8]  }
0x92: {  	s4 =	sld [smem:$0x3FC7]  }
0x93: {  	s5 =	sld [smem:$0x3FD0];
	(tm) =	ssettm $0x1  }
0x94: {  	s6 =	sld [smem:$0x3FFB];
	_ =	sdelay $0x3  }
0x95: {  	_ =	strace s6  }
0x96: {  	s6 =	sld [smem:$0x3FFC];
	_ =	sdelay $0x3  }
0x97: {  	_ =	strace s6  }
0x98: {  	s6 =	sld [smem:$0x3FFD];
	_ =	sdelay $0x3  }
0x99: {  	_ =	strace s6  }
0x9a: {  	_ =	strace $0x8FFFFFFF  }
0x9b: {  	s19 =	sld [smem:$0x3FDB];
	_ =	sdelay $0x1  }
0x9c: {  	s7 =	simm.s32 $_scs_section_size  }
0x9d: {  	s8 =	simm.s32 $_size__tile_overlayer_lowered;
	s9 =	simm.s32 $_tile_overlayer_lowered  }
0x9e: {  	s22 =	simm.s32 $0x1BFF;
	s21 =	sshll.u32 s9, $0x1;
	s6 =	sadd.s32 s7, s19  }
0x9f: {  	s10 =	simm.s32 $0x0;
	s20 =	sshll.u32 s8, $0x1;
	s8 =	sadd.s32 s21, s6  }
0xa0: {  	[timem:s10], [sflag:s22] =	dma.local [hbm:s8], s20  }
0xa1: {  	_ =	swait.ge [sflag:s22], s20  }
0xa2: {  	s7 =	ssub.s32 $0x0, s20;
	[sflag:s22] =	ssyncset.done $0x0  }
0xa3: {  	[sflag:s22] =	ssyncadd.s32 s7;
	_ =	sdelay $0x1  }
0xa4: {  	s23 =	simm.s32 $0x1B8B  }
0xa5: {  	_ =	swait.ge [sflag:s23], $0x1  }
0xa6: {  	[sflag:s23] =	ssyncset.done $0x0  }
0xa7: {  	s25 =	simm.s32 $0x1B8E;
	s24 =	sld [smem:$0x3FFE];
	[sflag:s23] =	ssyncadd.s32 $0xFFFFFFFF  }
0xa8: {  	s26 =	simm.s32 $execute0_lowered;
	[smem:$0x3FD2] =	sst s25  }
0xa9: {  	s8 =	sshll.u32 s26, $0x1;
	_ =	strace $0x80000046;
	[dreg:$0x1] =	wrdreg $0xFFFFFFFF  }
0xaa: {  	s28 =	simm.s32 $_size_execute0_lowered;
	s6 =	sadd.s32 s6, s8;
	[dreg:$0x0] =	wrdreg $0x0  }
0xab: {  	s8 =	sshll.u32 s28, $0x1;
	[dreg:$0x2] =	wrdreg s6  }
0xac: {  	[dreg:$0x3] =	wrdreg s8  }
0xad: {  	[dreg:$0x4] =	wrdreg $0xC0  }
0xae: {  	_ =	task [dreg:s10], $0x5FFFF  }
0xaf: {  	[dreg:$0x1] =	wrdreg $0xFFFFFFFF  }
0xb0: {  	[dreg:$0x0] =	wrdreg $0x60  }
0xb1: {  	[dreg:$0x2] =	wrdreg s2  }
0xb2: {  	[dreg:$0x3] =	wrdreg s18  }
0xb3: {  	[dreg:$0x4] =	wrdreg s4  }
0xb4: {  	[dreg:$0x5] =	wrdreg s24  }
0xb5: {  	[dreg:$0x6] =	wrdreg s5  }
0xb6: {  	[dreg:$0x7] =	wrdreg $0x9  }
0xb7: {  	_ =	task.clear_ibuf [dreg:s10], $0x8FFFF;
	_ =	strace $0x90000046  }
0xb8: {  	s29 =	simm.s32 $0x9;
	_ =	strace $0x80000048  }
0xb9: {  	_ =	swait.ge [sflag:s29], $0x1  }
0xba: {  	[sflag:s29] =	ssyncadd.s32 $0xFFFFFFFF  }
0xbb: {  	_ =	strace $0x90000048  }
0xbc: {  	_ =	sfence  }
0xbd: {  	s30 =	sld [smem:$0x0];
	_ =	sdelay $0x2  }
0xbe: {  	s31 =	sshll.u32 s1, $0xD;
	s1 =	sshrl.u32 s1, $0x2  }
0xbf: {  	s3 =	sand.u32 $0x4000, s31;
	s1 =	sadd.s32 s1, s30  }
0xc0: {  	s0 =	sor.u32 s3, s0;
	s1 =	sshll.u32 s1, $0x11  }
0xc1: {  	s0 =	sor.u32 s1, s0  }
0xc2: {  	s0 =	sadd.s32 $0x8F2B, s0  }
0xc3: {  	[sflag:s0] =	ssyncadd.remote.s32 $0x1  }
0xc4: {  	_ =	sfence.sel $0xFFFF  }
0xc5: {  	[dreg:$0x0] =	wrdreg $0xFFFFFFFF;
	(pc) =	sbr.abs _section_cstart, $3  }
0xc6: {  	[dreg:$0x1] =	wrdreg $0xFFFFFFFF  }
0xc7: {  	_ =	task.clear_ibuf [dreg:s10], $0x2FFFF;
	_ =	strace $0x9FFFFFFF  }
0xc8: {  	(tm) =	ssettm $0x7FFFFFFF  }
0xc9: {  	_ =	shalt  }
tec
execute0_lowered:
.L_overlay_start_1:
0x0: {  	(tag) =	ssettag $0x1  }
0x1: {  	s0 =	rddreg [dreg:$0x0]  }
0x2: {  	s2 =	rddreg [dreg:$0x1]  }
0x3: {  	s1 =	rddreg [dreg:$0x2]  }
0x4: {  	s5 =	rddreg [dreg:$0x3];
	s3 =	srdreg.scid  }
0x5: {  	s7 =	stileid.u32;
	s6 =	rddreg [dreg:$0x4];
	s28 =	simm.s32 $0x80  }
0x6: {  	s31 =	simm.s32 $0x4;
	s29 =	simm.s32 $0x6;
	s30 =	simm.s32 $0x1  }
0x7: {  	s4 =	sand.u32 $0x1, s3;
	s7 =	sshll.u32 s7, $0x1;
	s3 =	simm.s32 $0x0  }
0x8: {  	s21 =	sadd.s32 $0x400, s5;
	s10 =	sadd.s32 $0x3D0A0, s1;
	s11 =	sadd.s32 $0x5B8F0, s1  }
0x9: {  	s12 =	sadd.s32 $0x7A140, s1;
	s13 =	sadd.s32 $0x98990, s1;
	s15 =	sadd.s32 $0xB71E0, s1  }
0xa: {  	s16 =	sadd.s32 $0xD5A30, s1;
	s5 =	simm.s32 $0x0;
	s7 =	sor.u32 s4, s7  }
0xb: {  	[smem:$0x7FF] =	sst s3;
	s8 =	ssub.s32 $0x2, s4;
	s20 =	sshll.u32 s7, $0x9  }
0xc: {  	_ =	strace $0x80000047;
	s9 =	sshrl.u32 s8, $0x1;
	[dreg:$0x6] =	wrdreg s21  }
0xd: {  	s26 =	sshll.u32 s7, $0x6;
	s4 =	sadd.s32 s0, s20;
	s22 =	ssub.s32 s8, s9  }
0xe: {  	s9 =	sadd.s32 $0x1E850, s1;
	s14 =	sadd.s32 s2, s26;
	s21 =	sadd.s32 s6, s26  }
0xf: {  	s26 =	simm.s32 $0x2;
	s2 =	simm.s32 $0x3;
	s0 =	simm.s32 $0x5  }
0x10: {  	s23 =	sadd.s32 $0x80, s4;
	s24 =	sadd.s32 $0x100, s4;
	s25 =	sadd.s32 $0x180, s4  }
0x11: {  	s17 =	sadd.s32 $0x800, s14;
	s18 =	sadd.s32 $0x1000, s14;
	[dreg:$0x7] =	wrdreg s23  }
0x12: {  	s19 =	sadd.s32 $0x1800, s14;
	s20 =	sadd.s32 $0x2000, s14;
	[dreg:$0x8] =	wrdreg s24  }
0x13: {  	s22 =	smax.u32 s22, $0x1;
	[dreg:$0x9] =	wrdreg s25;
	s25 =	simm.s32 $0xC00  }
.LBB2_1:
0x14: {  	[tilespmem:s3], [sflag:$0x2] =	stream.linear.gather [hbm4b:s4+s3], $0x400, $0x38;
	[tilespmem:$0x2C80] =	vst v63  }
0x15: {  	s6 =	rddreg [dreg:$0x7];
	s7 =	simm.s32 $0x400  }
0x16: {  	[tilespmem:s7], [sflag:$0x3] =	stream.linear.gather [hbm4b:s6+s3], $0x400, $0x38;
	[tilespmem:$0x2C80] =	vst v63  }
0x17: {  	s24 =	rddreg [dreg:$0x8];
	s8 =	simm.s32 $0x800  }
0x18: {  	[tilespmem:s8], [sflag:$0x4] =	stream.linear.gather [hbm4b:s24+s3], $0x400, $0x38;
	[tilespmem:$0x2C80] =	vst v63  }
0x19: {  	s23 =	rddreg [dreg:$0x9]  }
0x1a: {  	[tilespmem:s25], [sflag:$0x5] =	stream.linear.gather [hbm4b:s23+s3], $0x400, $0x38;
	[tilespmem:$0x2C80] =	vst v63  }
0x1b: {  	_ =	swait.ge [sflag:s26], $0x400  }
0x1c: {  	[sflag:s26] =	ssyncset.done $0x0  }
0x1d: {  	s24 =	simm.s32 $0x1000;
	[sflag:s26] =	ssyncadd.s32 $0xFFFFFC00  }
0x1e: {  	[tilespmem:s24], [sflag:$0x1] =	stream.indirect.gather [hbm4b:s1+s28], $0x1, s3, s28, $0xb8;
	[tilespmem:$0x2C80] =	vst v63  }
0x1f: {  	s23 =	simm.s32 $0x1200  }
0x20: {  	[tilespmem:s23], [sflag:$0x1] =	stream.indirect.gather [hbm4b:s9+s28], $0x1, s28, s28, $0xb8;
	[tilespmem:$0x2C80] =	vst v63  }
0x21: {  	s24 =	simm.s32 $0x100;
	s23 =	simm.s32 $0x1400  }
0x22: {  	[tilespmem:s23], [sflag:$0x1] =	stream.indirect.gather [hbm4b:s10+s28], $0x1, s24, s28, $0xb8;
	[tilespmem:$0x2C80] =	vst v63  }
0x23: {  	s23 =	simm.s32 $0x180;
	s24 =	simm.s32 $0x1600  }
0x24: {  	[tilespmem:s24], [sflag:$0x1] =	stream.indirect.gather [hbm4b:s11+s28], $0x1, s23, s28, $0xb8;
	[tilespmem:$0x2C80] =	vst v63  }
0x25: {  	s6 =	simm.s32 $0x1800;
	s24 =	simm.s32 $0x200  }
0x26: {  	[tilespmem:s6], [sflag:$0x1] =	stream.indirect.gather [hbm4b:s12+s28], $0x1, s24, s28, $0xb8;
	[tilespmem:$0x2C80] =	vst v63  }
0x27: {  	s23 =	simm.s32 $0x280;
	s24 =	simm.s32 $0x1A00  }
0x28: {  	[tilespmem:s24], [sflag:$0x1] =	stream.indirect.gather [hbm4b:s13+s28], $0x1, s23, s28, $0xb8;
	[tilespmem:$0x2C80] =	vst v63  }
0x29: {  	s23 =	simm.s32 $0x300;
	s24 =	simm.s32 $0x1C00  }
0x2a: {  	[tilespmem:s24], [sflag:$0x1] =	stream.indirect.gather [hbm4b:s15+s28], $0x1, s23, s28, $0xb8;
	[tilespmem:$0x2C80] =	vst v63  }
0x2b: {  	s23 =	simm.s32 $0x380;
	s24 =	simm.s32 $0x1E00  }
0x2c: {  	[tilespmem:s24], [sflag:$0x1] =	stream.indirect.gather [hbm4b:s16+s28], $0x1, s23, s28, $0xb8;
	[tilespmem:$0x2C80] =	vst v63  }
0x2d: {  	_ =	swait.ge [sflag:s2], $0x400  }
0x2e: {  	[sflag:s2] =	ssyncset.done $0x0  }
0x2f: {  	s24 =	simm.s32 $0x1080;
	[sflag:s2] =	ssyncadd.s32 $0xFFFFFC00  }
0x30: {  	[tilespmem:s24], [sflag:$0x1] =	stream.indirect.gather [hbm4b:s1+s28], $0x1, s7, s28, $0xb8;
	[tilespmem:$0x2C80] =	vst v63  }
0x31: {  	s23 =	simm.s32 $0x480;
	s24 =	simm.s32 $0x1280  }
0x32: {  	[tilespmem:s24], [sflag:$0x1] =	stream.indirect.gather [hbm4b:s9+s28], $0x1, s23, s28, $0xb8;
	[tilespmem:$0x2C80] =	vst v63  }
0x33: {  	s23 =	simm.s32 $0x500;
	s24 =	simm.s32 $0x1480  }
0x34: {  	[tilespmem:s24], [sflag:$0x1] =	stream.indirect.gather [hbm4b:s10+s28], $0x1, s23, s28, $0xb8;
	[tilespmem:$0x2C80] =	vst v63  }
0x35: {  	s23 =	simm.s32 $0x580;
	s24 =	simm.s32 $0x1680  }
0x36: {  	[tilespmem:s24], [sflag:$0x1] =	stream.indirect.gather [hbm4b:s11+s28], $0x1, s23, s28, $0xb8;
	[tilespmem:$0x2C80] =	vst v63  }
0x37: {  	s23 =	simm.s32 $0x600;
	s24 =	simm.s32 $0x1880  }
0x38: {  	[tilespmem:s24], [sflag:$0x1] =	stream.indirect.gather [hbm4b:s12+s28], $0x1, s23, s28, $0xb8;
	[tilespmem:$0x2C80] =	vst v63  }
0x39: {  	s23 =	simm.s32 $0x680;
	s24 =	simm.s32 $0x1A80  }
0x3a: {  	[tilespmem:s24], [sflag:$0x1] =	stream.indirect.gather [hbm4b:s13+s28], $0x1, s23, s28, $0xb8;
	[tilespmem:$0x2C80] =	vst v63  }
0x3b: {  	s23 =	simm.s32 $0x700;
	s24 =	simm.s32 $0x1C80  }
0x3c: {  	[tilespmem:s24], [sflag:$0x1] =	stream.indirect.gather [hbm4b:s15+s28], $0x1, s23, s28, $0xb8;
	[tilespmem:$0x2C80] =	vst v63  }
0x3d: {  	s23 =	simm.s32 $0x780;
	s24 =	simm.s32 $0x1E80  }
0x3e: {  	[tilespmem:s24], [sflag:$0x1] =	stream.indirect.gather [hbm4b:s16+s28], $0x1, s23, s28, $0xb8;
	[tilespmem:$0x2C80] =	vst v63  }
0x3f: {  	_ =	swait.ge [sflag:s31], $0x400  }
0x40: {  	[sflag:s31] =	ssyncset.done $0x0  }
0x41: {  	s24 =	simm.s32 $0x1100;
	[sflag:s31] =	ssyncadd.s32 $0xFFFFFC00  }
0x42: {  	[tilespmem:s24], [sflag:$0x1] =	stream.indirect.gather [hbm4b:s1+s28], $0x1, s8, s28, $0xb8;
	[tilespmem:$0x2C80] =	vst v63  }
0x43: {  	s23 =	simm.s32 $0x880;
	s24 =	simm.s32 $0x1300  }
0x44: {  	[tilespmem:s24], [sflag:$0x1] =	stream.indirect.gather [hbm4b:s9+s28], $0x1, s23, s28, $0xb8;
	[tilespmem:$0x2C80] =	vst v63  }
0x45: {  	s23 =	simm.s32 $0x900;
	s24 =	simm.s32 $0x1500  }
0x46: {  	[tilespmem:s24], [sflag:$0x1] =	stream.indirect.gather [hbm4b:s10+s28], $0x1, s23, s28, $0xb8;
	[tilespmem:$0x2C80] =	vst v63  }
0x47: {  	s23 =	simm.s32 $0x980;
	s24 =	simm.s32 $0x1700  }
0x48: {  	[tilespmem:s24], [sflag:$0x1] =	stream.indirect.gather [hbm4b:s11+s28], $0x1, s23, s28, $0xb8;
	[tilespmem:$0x2C80] =	vst v63  }
0x49: {  	s23 =	simm.s32 $0xA00;
	s24 =	simm.s32 $0x1900  }
0x4a: {  	[tilespmem:s24], [sflag:$0x1] =	stream.indirect.gather [hbm4b:s12+s28], $0x1, s23, s28, $0xb8;
	[tilespmem:$0x2C80] =	vst v63  }
0x4b: {  	s23 =	simm.s32 $0xA80;
	s24 =	simm.s32 $0x1B00  }
0x4c: {  	[tilespmem:s24], [sflag:$0x1] =	stream.indirect.gather [hbm4b:s13+s28], $0x1, s23, s28, $0xb8;
	[tilespmem:$0x2C80] =	vst v63  }
0x4d: {  	s23 =	simm.s32 $0xB00;
	s24 =	simm.s32 $0x1D00  }
0x4e: {  	[tilespmem:s24], [sflag:$0x1] =	stream.indirect.gather [hbm4b:s15+s28], $0x1, s23, s28, $0xb8;
	[tilespmem:$0x2C80] =	vst v63  }
0x4f: {  	s23 =	simm.s32 $0xB80;
	s24 =	simm.s32 $0x1F00  }
0x50: {  	[tilespmem:s24], [sflag:$0x1] =	stream.indirect.gather [hbm4b:s16+s28], $0x1, s23, s28, $0xb8;
	[tilespmem:$0x2C80] =	vst v63  }
0x51: {  	_ =	swait.ge [sflag:s0], $0x400  }
0x52: {  	[sflag:s0] =	ssyncset.done $0x0  }
0x53: {  	s8 =	simm.s32 $0x1180;
	[sflag:s0] =	ssyncadd.s32 $0xFFFFFC00  }
0x54: {  	[tilespmem:s8], [sflag:$0x1] =	stream.indirect.gather [hbm4b:s1+s28], $0x1, s25, s28, $0xb8;
	[tilespmem:$0x2C80] =	vst v63  }
0x55: {  	s23 =	simm.s32 $0xC80;
	s24 =	simm.s32 $0x1380  }
0x56: {  	[tilespmem:s24], [sflag:$0x1] =	stream.indirect.gather [hbm4b:s9+s28], $0x1, s23, s28, $0xb8;
	[tilespmem:$0x2C80] =	vst v63  }
0x57: {  	s23 =	simm.s32 $0xD00;
	s24 =	simm.s32 $0x1580  }
0x58: {  	[tilespmem:s24], [sflag:$0x1] =	stream.indirect.gather [hbm4b:s10+s28], $0x1, s23, s28, $0xb8;
	[tilespmem:$0x2C80] =	vst v63  }
0x59: {  	s23 =	simm.s32 $0xD80;
	s24 =	simm.s32 $0x1780  }
0x5a: {  	[tilespmem:s24], [sflag:$0x1] =	stream.indirect.gather [hbm4b:s11+s28], $0x1, s23, s28, $0xb8;
	[tilespmem:$0x2C80] =	vst v63  }
0x5b: {  	s23 =	simm.s32 $0xE00;
	s24 =	simm.s32 $0x1980  }
0x5c: {  	[tilespmem:s24], [sflag:$0x1] =	stream.indirect.gather [hbm4b:s12+s28], $0x1, s23, s28, $0xb8;
	[tilespmem:$0x2C80] =	vst v63  }
0x5d: {  	s23 =	simm.s32 $0xE80;
	s24 =	simm.s32 $0x1B80  }
0x5e: {  	[tilespmem:s24], [sflag:$0x1] =	stream.indirect.gather [hbm4b:s13+s28], $0x1, s23, s28, $0xb8;
	[tilespmem:$0x2C80] =	vst v63  }
0x5f: {  	s23 =	simm.s32 $0xF00;
	s24 =	simm.s32 $0x1D80  }
0x60: {  	[tilespmem:s24], [sflag:$0x1] =	stream.indirect.gather [hbm4b:s15+s28], $0x1, s23, s28, $0xb8;
	[tilespmem:$0x2C80] =	vst v63  }
0x61: {  	s23 =	simm.s32 $0xF80;
	s24 =	simm.s32 $0x1F80  }
0x62: {  	[tilespmem:s24], [sflag:$0x1] =	stream.indirect.gather [hbm4b:s16+s28], $0x1, s23, s28, $0xb8;
	[tilespmem:$0x2C80] =	vst v63  }
0x63: {  	s23 =	simm.s32 $0x2000  }
0x64: {  	[tilespmem:s23], [sflag:$0x6] =	stream.linear.gather [hbm4b:s14+s3], $0x200, $0x38;
	[tilespmem:$0x2C80] =	vst v63  }
0x65: {  	_ =	swait.ge [sflag:s29], $0x200  }
0x66: {  	[sflag:s29] =	ssyncset.done $0x0  }
0x67: {  	s24 =	simm.s32 $0x2200;
	[sflag:s29] =	ssyncadd.s32 $0xFFFFFE00  }
0x68: {  	[tilespmem:s24], [sflag:$0x6] =	stream.linear.gather [hbm4b:s17+s3], $0x200, $0x38;
	[tilespmem:$0x2C80] =	vst v63  }
0x69: {  	_ =	swait.ge [sflag:s29], $0x200  }
0x6a: {  	[sflag:s29] =	ssyncset.done $0x0  }
0x6b: {  	s8 =	simm.s32 $0x2400;
	[sflag:s29] =	ssyncadd.s32 $0xFFFFFE00  }
0x6c: {  	[tilespmem:s8], [sflag:$0x6] =	stream.linear.gather [hbm4b:s18+s3], $0x200, $0x38;
	[tilespmem:$0x2C80] =	vst v63  }
0x6d: {  	_ =	swait.ge [sflag:s29], $0x200  }
0x6e: {  	[sflag:s29] =	ssyncset.done $0x0  }
0x6f: {  	s23 =	simm.s32 $0x2600;
	[sflag:s29] =	ssyncadd.s32 $0xFFFFFE00  }
0x70: {  	[tilespmem:s23], [sflag:$0x6] =	stream.linear.gather [hbm4b:s19+s3], $0x200, $0x38;
	[tilespmem:$0x2C80] =	vst v63  }
0x71: {  	_ =	swait.ge [sflag:s29], $0x200  }
0x72: {  	[sflag:s29] =	ssyncset.done $0x0  }
0x73: {  	s24 =	simm.s32 $0x2800;
	[sflag:s29] =	ssyncadd.s32 $0xFFFFFE00  }
0x74: {  	[tilespmem:s24], [sflag:$0x6] =	stream.linear.gather [hbm4b:s20+s3], $0x200, $0x38;
	[tilespmem:$0x2C80] =	vst v63  }
0x75: {  	_ =	swait.ge [sflag:s29], $0x200  }
0x76: {  	[sflag:s29] =	ssyncset.done $0x0  }
0x77: {  	s23 =	simm.s32 $0x2A00;
	s8 =	rddreg [dreg:$0x6];
	[sflag:s29] =	ssyncadd.s32 $0xFFFFFE00  }
0x78: {  	[tilespmem:s23], [sflag:$0x6] =	stream.linear.gather [hbm4b:s8+s3], $0x80, $0x38;
	[tilespmem:$0x2C80] =	vst v63  }
0x79: {  	_ =	swait.ge [sflag:s29], $0x80  }
0x7a: {  	[sflag:s29] =	ssyncset.done $0x0  }
0x7b: {  	[sflag:s29] =	ssyncadd.s32 $0xFFFFFF80  }
0x7c: {  	v0 =	vld [tilespmem:$0x2A00];
	_ =	swait.ge [sflag:s30], $0x1000  }
0x7d: {  	s7 =	simm.s32 $0x0;
	[sflag:s30] =	ssyncset.done $0x0  }
0x7e: {  	s24 =	sand.u32 $0x1C0, s7;
	[sflag:s30] =	ssyncadd.s32 $0xFFFFF000  }
0x7f: {  	v3 =	vld [tilespmem:s24+$0x1E00]  }
0x80: {  	v1 =	vld [tilespmem:s24+$0x1C00]  }
0x81: {  	v2 =	vld [tilespmem:s24+$0x1A00]  }
0x82: {  	v4 =	vld [tilespmem:s6+$0xFFFFF830]  }
0x83: {  	v5 =	vld [tilespmem:s6+$0xFFFFF800]  }
0x84: {  	v6 =	vld [tilespmem:s6+$0xFFFFFA30]  }
0x85: {  	v7 =	vld [tilespmem:s6+$0xFFFFFE30]  }
0x86: {  	s8 =	simm.s32 $0x2420;
	v8 =	vld [tilespmem:s6+$0xFFFFFC30]  }
0x87: {  	v9 =	vld [tilespmem:s8+$0xFFFFFC10]  }
0x88: {  	v10 =	vld [tilespmem:s8+$0xFFFFFE10]  }
0x89: {  	v11 =	vld [tilespmem:s6+$0x30]  }
0x8a: {  	v12 =	vld [tilespmem:s8+$0x10]  }
0x8b: {  	v13 =	vld [tilespmem:s6+$0x230]  }
0x8c: {  	v14 =	vld [tilespmem:s8+$0x210]  }
0x8d: {  	v15 =	vld [tilespmem:s6+$0x430]  }
0x8e: {  	v16 =	vld [tilespmem:s8+$0x410]  }
0x8f: {  	v17 =	vld [tilespmem:s6+$0xFFFFF810]  }
0x90: {  	v18 =	vld [tilespmem:s6+$0x630]  }
0x91: {  	v19 =	vld [tilespmem:s6+$0xFFFFF820]  }
0x92: {  	v20 =	vld [tilespmem:s6+$0xFFFFFA00]  }
0x93: {  	v21 =	vld [tilespmem:s6+$0xFFFFFA10]  }
0x94: {  	v22 =	vld [tilespmem:s6+$0xFFFFFA20]  }
0x95: {  	v23 =	vld [tilespmem:s6+$0xFFFFFC00]  }
0x96: {  	v24 =	vld [tilespmem:s6+$0xFFFFFC10]  }
0x97: {  	v25 =	vld [tilespmem:s6+$0xFFFFFE00]  }
0x98: {  	v26 =	vld [tilespmem:s8+$0xFFFFFDE0];
	v4 =	vadd.f32 v4, v0  }
0x99: {  	v47 =	vld [tilespmem:s6+$0xFFFFFE20];
	v5 =	vadd.f32 v5, v0  }
0x9a: {  	v48 =	vld [tilespmem:s8+$0xFFFFFC00];
	v4 =	vadd.f32 v6, v4  }
0x9b: {  	v49 =	vld [tilespmem:s8+$0xFFFFFE00];
	v5 =	vadd.f32 v20, v5  }
0x9c: {  	v50 =	vld [tilespmem:s6+$0x0];
	v4 =	vadd.f32 v8, v4  }
0x9d: {  	v52 =	vld [tilespmem:s8+$0xFFFFFFE0];
	v5 =	vadd.f32 v23, v5  }
0x9e: {  	v54 =	vld [tilespmem:s6+$0x10];
	v4 =	vadd.f32 v7, v4;
	v7 =	vadd.f32 v10, v9  }
0x9f: {  	v55 =	vld [tilespmem:s8+$0xFFFFFFF0];
	v5 =	vadd.f32 v25, v5  }
0xa0: {  	v57 =	vld [tilespmem:s8+$0x0];
	v4 =	vadd.f32 v11, v4;
	v7 =	vadd.f32 v12, v7  }
0xa1: {  	v10 =	vld [tilespmem:s8+$0xFFFFFBF0];
	v5 =	vadd.f32 v50, v5  }
0xa2: {  	v11 =	vld [tilespmem:s8+$0xFFFFFDF0];
	v4 =	vadd.f32 v13, v4;
	v7 =	vadd.f32 v14, v7  }
0xa3: {  	v51 =	vadd.f32 v17, v0;
	v6 =	vld [tilespmem:s6+$0xFFFFFC20];
	v2 =	vadd.f32 v2, v5  }
0xa4: {  	v9 =	vld [tilespmem:s6+$0xFFFFFE10];
	v4 =	vadd.f32 v15, v4;
	v7 =	vadd.f32 v16, v7  }
0xa5: {  	v53 =	vadd.f32 v19, v0;
	v8 =	vld [tilespmem:s8+$0xFFFFFBE0];
	v16 =	vadd.f32 v21, v51  }
0xa6: {  	v58 =	vld [tilespmem:s6+$0x210];
	v61 =	vadd.f32 v1, v2;
	v4 =	vadd.f32 v18, v4;
	v7 =	vmul.f32 $1.000000010e-01, v7  }
0xa7: {  	v59 =	vld [tilespmem:s8+$0x1F0];
	v10 =	vadd.f32 v11, v10;
	v16 =	vadd.f32 v24, v16  }
0xa8: {  	v60 =	vld [tilespmem:s8+$0x200];
	v56 =	vadd.f32 v7, v4;
	v4 =	vadd.f32 v22, v53  }
0xa9: {  	v11 =	vadd.f32 v49, v48;
	v7 =	vld [tilespmem:s6+$0x20];
	v9 =	vadd.f32 v9, v16  }
0xaa: {  	v4 =	vadd.f32 v6, v4;
	v6 =	vadd.f32 v26, v8;
	v8 =	vld [tilespmem:s8+$0x1E0]  }
0xab: {  	v5 =	vld [tilespmem:s6+$0x220];
	v3 =	vadd.f32 v3, v61;
	v10 =	vadd.f32 v55, v10  }
0xac: {  	v1 =	vld [tilespmem:s8+$0x3E0];
	v9 =	vadd.f32 v54, v9;
	v4 =	vadd.f32 v47, v4  }
0xad: {  	v2 =	vld [tilespmem:s6+$0x410];
	v63 =	vadd.f32 v57, v11;
	v6 =	vadd.f32 v52, v6  }
0xae: {  	v11 =	vadd.f32 v58, v9;
	v62 =	vadd.f32 v7, v4;
	v4 =	vld [tilespmem:s8+$0x3F0]  }
0xaf: {  	s23 =	simm.s32 $0x2AA0;
	v7 =	vld [tilespmem:s6+$0x420];
	v8 =	vadd.f32 v8, v6;
	v6 =	vadd.f32 v59, v10  }
0xb0: {  	[tilespmem:s23+$0x10] =	vst v56;
	v10 =	vld [tilespmem:s8+$0x400];
	v9 =	vadd.f32 v5, v62;
	v5 =	vadd.f32 v60, v63  }
.LBB2_2:
0xb1: {  	s7 =	sadd.s32 $0x40, s7;
	v8 =	vadd.f32 v1, v8;
	v12 =	vld [tilespmem:s6+$0x610]  }
0xb2: {  	s24 =	sand.u32 $0x1C0, s7;
	v11 =	vadd.f32 v2, v11;
	v13 =	vld [tilespmem:s6+$0x620]  }
0xb3: {  	v1 =	vld [tilespmem:s24+$0x1E00];
	v8 =	vmul.f32 $1.000000010e-01, v8;
	v4 =	vadd.f32 v4, v6  }
0xb4: {  	v2 =	vld [tilespmem:s24+$0x1C00];
	v6 =	vadd.f32 v7, v9  }
0xb5: {  	s6 =	sadd.s32 $0x40, s6;
	v7 =	vld [tilespmem:s24+$0x1A00];
	v3 =	vadd.f32 v8, v3;
	v4 =	vmul.f32 $1.000000010e-01, v4;
	v5 =	vadd.f32 v10, v5  }
0xb6: {  	p0 =	slt.u32 s7, $0x1C0;
	v8 =	vld [tilespmem:s6+$0xFFFFF830];
	v9 =	vadd.f32 v12, v11  }
0xb7: {  	v10 =	vld [tilespmem:s6+$0xFFFFF800];
	[tilespmem:s23+$0xFFFFFFE0] =	vst v3;
	v3 =	vadd.f32 v13, v6;
	v5 =	vmul.f32 $1.000000010e-01, v5  }
0xb8: {  	v6 =	vld [tilespmem:s6+$0xFFFFFA30];
	v4 =	vadd.f32 v4, v9  }
0xb9: {  	v9 =	vld [tilespmem:s6+$0xFFFFFE30];
	v3 =	vadd.f32 v5, v3  }
0xba: {  	s8 =	sadd.s32 $0x40, s8;
	v5 =	vld [tilespmem:s6+$0xFFFFFC30];
	[tilespmem:s23+$0xFFFFFFF0] =	vst v4  }
0xbb: {  	v4 =	vadd.f32 v8, v0;
	v8 =	vld [tilespmem:s8+$0xFFFFFC10];
	[tilespmem:s23+$0x0] =	vst v3  }
0xbc: {  	v3 =	vadd.f32 v10, v0;
	v10 =	vld [tilespmem:s8+$0xFFFFFE10]  }
0xbd: {  	v4 =	vadd.f32 v6, v4;
	v6 =	vld [tilespmem:s6+$0x30]  }
0xbe: {  	v11 =	vld [tilespmem:s8+$0x10]  }
0xbf: {  	v4 =	vadd.f32 v5, v4;
	v5 =	vld [tilespmem:s6+$0x230]  }
0xc0: {  	v12 =	vld [tilespmem:s8+$0x210]  }
0xc1: {  	v4 =	vadd.f32 v9, v4;
	v9 =	vld [tilespmem:s6+$0x430];
	v8 =	vadd.f32 v10, v8  }
0xc2: {  	v10 =	vld [tilespmem:s8+$0x410]  }
0xc3: {  	v13 =	vld [tilespmem:s6+$0xFFFFF810];
	v4 =	vadd.f32 v6, v4;
	v6 =	vadd.f32 v11, v8  }
0xc4: {  	v8 =	vld [tilespmem:s6+$0x630]  }
0xc5: {  	v11 =	vld [tilespmem:s6+$0xFFFFF820];
	v4 =	vadd.f32 v5, v4;
	v5 =	vadd.f32 v12, v6  }
0xc6: {  	v6 =	vld [tilespmem:s6+$0xFFFFFA00]  }
0xc7: {  	v12 =	vld [tilespmem:s6+$0xFFFFFA10];
	v4 =	vadd.f32 v9, v4;
	v5 =	vadd.f32 v10, v5  }
0xc8: {  	v9 =	vadd.f32 v13, v0;
	v10 =	vld [tilespmem:s6+$0xFFFFFA20]  }
0xc9: {  	v13 =	vld [tilespmem:s6+$0xFFFFFC00];
	v4 =	vadd.f32 v8, v4;
	v5 =	vmul.f32 $1.000000010e-01, v5  }
0xca: {  	v8 =	vld [tilespmem:s6+$0xFFFFFC10];
	v11 =	vadd.f32 v11, v0  }
0xcb: {  	v3 =	vadd.f32 v6, v3;
	v6 =	vld [tilespmem:s6+$0xFFFFFC20];
	v4 =	vadd.f32 v5, v4  }
0xcc: {  	s23 =	sadd.s32 $0x40, s23;
	v5 =	vld [tilespmem:s6+$0xFFFFFE00];
	v9 =	vadd.f32 v12, v9  }
0xcd: {  	v12 =	vld [tilespmem:s8+$0xFFFFFBE0];
	v10 =	vadd.f32 v10, v11;
	[tilespmem:s23+$0x10] =	vst v4  }
0xce: {  	v3 =	vadd.f32 v13, v3;
	v4 =	vld [tilespmem:s8+$0xFFFFFDE0]  }
0xcf: {  	v8 =	vadd.f32 v8, v9;
	v9 =	vld [tilespmem:s6+$0xFFFFFE10]  }
0xd0: {  	v11 =	vld [tilespmem:s8+$0xFFFFFBF0];
	v6 =	vadd.f32 v6, v10  }
0xd1: {  	v3 =	vadd.f32 v5, v3;
	v5 =	vld [tilespmem:s8+$0xFFFFFDF0]  }
0xd2: {  	v10 =	vld [tilespmem:s6+$0xFFFFFE20]  }
0xd3: {  	v4 =	vadd.f32 v4, v12;
	v12 =	vld [tilespmem:s8+$0xFFFFFC00]  }
0xd4: {  	v8 =	vadd.f32 v9, v8;
	v9 =	vld [tilespmem:s8+$0xFFFFFE00]  }
0xd5: {  	v13 =	vld [tilespmem:s6+$0x0]  }
0xd6: {  	v14 =	vld [tilespmem:s8+$0xFFFFFFE0];
	v5 =	vadd.f32 v5, v11  }
0xd7: {  	v11 =	vld [tilespmem:s6+$0x10];
	v6 =	vadd.f32 v10, v6  }
0xd8: {  	v10 =	vld [tilespmem:s8+$0xFFFFFFF0]  }
0xd9: {  	v15 =	vld [tilespmem:s6+$0x20];
	v9 =	vadd.f32 v9, v12  }
0xda: {  	v3 =	vadd.f32 v13, v3;
	v12 =	vld [tilespmem:s8+$0x0]  }
0xdb: {  	v4 =	vadd.f32 v14, v4;
	v13 =	vld [tilespmem:s8+$0x1E0]  }
0xdc: {  	v3 =	vadd.f32 v7, v3;
	v7 =	vadd.f32 v11, v8;
	v11 =	vld [tilespmem:s6+$0x210]  }
0xdd: {  	v5 =	vadd.f32 v10, v5;
	v10 =	vld [tilespmem:s8+$0x1F0]  }
0xde: {  	v2 =	vadd.f32 v2, v3;
	v14 =	vadd.f32 v15, v6;
	v15 =	vld [tilespmem:s6+$0x220]  }
0xdf: {  	v12 =	vadd.f32 v12, v9;
	v16 =	vld [tilespmem:s8+$0x200]  }
.Ltmp0:
0xe0: {  	v3 =	vadd.f32 v1, v2;
	v8 =	vadd.f32 v13, v4;
	v1 =	vld [tilespmem:s8+$0x3E0];
	(pc) =	sbr.rel @p0 .LBB2_2-.Ltmp0, $4  }
0xe1: {  	v11 =	vadd.f32 v11, v7;
	v2 =	vld [tilespmem:s6+$0x410]  }
0xe2: {  	v6 =	vadd.f32 v10, v5;
	v4 =	vld [tilespmem:s8+$0x3F0]  }
0xe3: {  	v9 =	vadd.f32 v15, v14;
	v7 =	vld [tilespmem:s6+$0x420]  }
0xe4: {  	v5 =	vadd.f32 v16, v12;
	v10 =	vld [tilespmem:s8+$0x400]  }
0xe5: {  	v0 =	vld [tilespmem:s6+$0x610]  }
0xe6: {  	v12 =	vld [tilespmem:s6+$0x620]  }
0xe7: {  	v1 =	vadd.f32 v1, v8  }
0xe8: {  	v2 =	vadd.f32 v2, v11;
	v4 =	vadd.f32 v4, v6  }
0xe9: {  	v1 =	vmul.f32 $1.000000010e-01, v1;
	v60 =	vadd.f32 v7, v9;
	v5 =	vadd.f32 v10, v5  }
0xea: {  	v4 =	vmul.f32 $1.000000010e-01, v4;
	v0 =	vadd.f32 v0, v2  }
0xeb: {  	v1 =	vadd.f32 v1, v3;
	v61 =	vadd.f32 v12, v60;
	v62 =	vmul.f32 $1.000000010e-01, v5  }
0xec: {  	v0 =	vadd.f32 v4, v0  }
0xed: {  	s5 =	sadd.s32 $0x1, s5;
	[tilespmem:s23+$0xFFFFFFE0] =	vst v1;
	v63 =	vadd.f32 v62, v61  }
0xee: {  	p0 =	sne.s32 s5, s22;
	[tilespmem:s23+$0xFFFFFFF0] =	vst v0  }
.Ltmp1:
0xef: {  	s24 =	simm.s32 $0x2A80;
	[tilespmem:s23+$0x0] =	vst v63;
	(pc) =	sbr.rel @p0 .LBB2_1-.Ltmp1, $4  }
0xf0: {  	[hbm4b:s21+s3] =	stream.linear.scatter [tilespmem:s24], [sflag:$0x6], $0x200, $0x38;
	[tilespmem:$0x2C80] =	vst v63  }
0xf1: {  	_ =	swait.ge [sflag:s29], $0x200  }
0xf2: {  	[sflag:s29] =	ssyncset.done $0x0  }
0xf3: {  	[sflag:s29] =	ssyncadd.s32 $0xFFFFFE00  }
0xf4: {  	_ =	sfence.sel $0x180000  }
0xf5: {  	[bflag:$0x0] =	sbarrier.arrive $0xFFFF  }
0xf6: {  	_ =	strace $0x90000047  }
0xf7: {  	s0 =	stileid.u32;
	[bflag:$0x2] =	sbarrier.arrive $0xFFFF  }
0xf8: {  	p0 =	sne.s32 s0, $0x0;
	s0 =	rddreg [dreg:$0x5]  }
0xf9: {  	s0 =	sadd.s32 @!p0 $0x100000, s0  }
0xfa: {  	[sflag:s0] =	ssyncadd.tile.s32 @!p0 $0x1;
	_ =	shalt  }
.Lfunc_end2:
_tile_overlayer_lowered:
.L_overlay_start_2:
0xfb: {  	(tag) =	ssettag $0x2  }
0xfc: {  	s0 =	rddreg [dreg:$0x0];
	s2 =	stileid.u32  }
0xfd: {  	s1 =	rddreg [dreg:$0x1];
	p0 =	sne.s32 s2, $0x0  }
0xfe: {  	s3 =	rddreg [dreg:$0x2];
	[bflag:$0x3] =	sbarrier.arrive $0xFFFF;
	s2 =	simm.s32 @!p0 $0x1C06  }
0xff: {  	[timem:s3], [sflag:s2] =	dma.local @!p0 [hbm:s0], s1  }
0x100: {  	s0 =	simm.s32 @!p0 $0x6  }
0x101: {  	_ =	swait.ge @!p0 [sflag:s0], s1  }
0x102: {  	s1 =	ssub.s32 @!p0 $0x0, s1;
	[sflag:s0] =	ssyncset.done @!p0 $0x0  }
0x103: {  	[sflag:s0] =	ssyncadd.s32 @!p0 s1  }
0x104: {  	[bflag:$0x3] =	sbarrier.arrive $0xFFFF  }
0x105: {  	_ =	shalt  }

</sc_bundles>
